<compile_context>
chip_gen: v7x
topology: tpu7x:2x2x1
jax: 0.10.2.dev20260603
libtpu: 0.0.44.dev20260713+nightly
codegen_flags: <defaults>
</compile_context>

<pallas_src>
import functools

import jax
import jax.numpy as jnp
from jax import lax
from jax.experimental import pallas as pl
from jax.experimental.pallas import tpu as pltpu
from jax.experimental.pallas import tpu_sc as plsc

N = 50000
E = 800000
D_IN = 64

NC = 2
NS = 16
NW = NC * NS
N_PAD = 50176
ROWS = N_PAD // NS
E_W = 25088
E_PAD = NW * E_W
BLK = 1024
GRID = N_PAD // BLK

_MESH = plsc.VectorSubcoreMesh(core_axis_name="c", subcore_axis_name="s")
_CP_SC = pltpu.CompilerParams(use_tc_tiling_on_sc=False)


def _sc_scatter2_body(t1, t3, srcr, dstr, zrows, o1, o2,
                      a1, a2, srcv, dstv, vals, stg, gsem):
    cid = lax.axis_index("c")
    sid = lax.axis_index("s")
    wid = cid * NS + sid
    sl = pl.ds(sid * ROWS, ROWS)
    pltpu.sync_copy(zrows, stg)
    pltpu.sync_copy(stg, a1.at[sl])
    pltpu.sync_copy(stg, a2.at[sl])
    pltpu.sync_copy(srcr.at[wid], srcv)
    pltpu.sync_copy(dstr.at[wid], dstv)
    plsc.subcore_barrier()
    pltpu.async_copy(t1.at[srcv], vals, gsem).wait()
    pltpu.sync_copy(vals, a1.at[dstv], add=True)
    pltpu.async_copy(t3.at[srcv], vals, gsem).wait()
    pltpu.sync_copy(vals, a2.at[dstv], add=True)
    plsc.subcore_barrier()
    pltpu.sync_copy(a1.at[sl], stg)
    pltpu.sync_copy(stg, o1.at[cid, sl])
    pltpu.sync_copy(a2.at[sl], stg)
    pltpu.sync_copy(stg, o2.at[cid, sl])


_sc_scatter2 = functools.partial(
    pl.kernel,
    out_type=[jax.ShapeDtypeStruct((NC, N_PAD), jnp.float32),
              jax.ShapeDtypeStruct((NC, N_PAD), jnp.float32)],
    mesh=_MESH,
    compiler_params=_CP_SC,
    scratch_types=[
        pltpu.VMEM_SHARED((N_PAD,), jnp.float32),
        pltpu.VMEM_SHARED((N_PAD,), jnp.float32),
        pltpu.VMEM((E_W,), jnp.int32),
        pltpu.VMEM((E_W,), jnp.int32),
        pltpu.VMEM((E_W,), jnp.float32),
        pltpu.VMEM((ROWS,), jnp.float32),
        pltpu.SemaphoreType.DMA,
    ],
)(_sc_scatter2_body)


def _sc_scatter1_body(t1, srcr, dstr, zrows, o1,
                      a1, srcv, dstv, vals, stg, gsem):
    cid = lax.axis_index("c")
    sid = lax.axis_index("s")
    wid = cid * NS + sid
    sl = pl.ds(sid * ROWS, ROWS)
    pltpu.sync_copy(zrows, stg)
    pltpu.sync_copy(stg, a1.at[sl])
    pltpu.sync_copy(srcr.at[wid], srcv)
    pltpu.sync_copy(dstr.at[wid], dstv)
    plsc.subcore_barrier()
    pltpu.async_copy(t1.at[srcv], vals, gsem).wait()
    pltpu.sync_copy(vals, a1.at[dstv], add=True)
    plsc.subcore_barrier()
    pltpu.sync_copy(a1.at[sl], stg)
    pltpu.sync_copy(stg, o1.at[cid, sl])


_sc_scatter1 = functools.partial(
    pl.kernel,
    out_type=jax.ShapeDtypeStruct((NC, N_PAD), jnp.float32),
    mesh=_MESH,
    compiler_params=_CP_SC,
    scratch_types=[
        pltpu.VMEM_SHARED((N_PAD,), jnp.float32),
        pltpu.VMEM((E_W,), jnp.int32),
        pltpu.VMEM((E_W,), jnp.int32),
        pltpu.VMEM((E_W,), jnp.float32),
        pltpu.VMEM((ROWS,), jnp.float32),
        pltpu.SemaphoreType.DMA,
    ],
)(_sc_scatter1_body)


def _im_i(i):
    return (0, i)


def _im_x(i):
    return (i, 0)


def _im_0(i):
    return (0, 0)


def _k1_body(x_ref, u13_ref, u24_ref, c_ref, q13_ref, q24_ref):
    a = x_ref[...]
    q13_ref[...] = jax.lax.dot_general(
        u13_ref[...], a, (((0,), (1,)), ((), ())),
        preferred_element_type=jnp.float32)
    q24_ref[...] = jax.lax.dot_general(
        u24_ref[...], a, (((0,), (1,)), ((), ())),
        preferred_element_type=jnp.float32) + c_ref[...]


def _k3_body(s1_ref, s3_ref, q_ref, o_ref):
    o_ref[0:1, :] = s1_ref[0:1, :] + s1_ref[1:2, :] + q_ref[0:1, :]
    o_ref[1:2, :] = s3_ref[0:1, :] + s3_ref[1:2, :] + q_ref[1:2, :]


def _k5_body(t_ref, p2_ref, o_ref):
    o_ref[...] = t_ref[0:1, :] + t_ref[1:2, :] + p2_ref[1:2, :]


def kernel(x, edge_index, batch, W1_rel, b1, W1_root, W2_rel, b2, W2_root):
    with jax.enable_x64(False):
        return _kernel_x32(x, edge_index, batch, W1_rel, b1, W1_root,
                           W2_rel, b2, W2_root)


def _kernel_x32(x, edge_index, batch, W1_rel, b1, W1_root, W2_rel, b2, W2_root):
    f32 = jnp.float32
    x = x.astype(f32)
    u1 = W1_rel.T @ W2_rel[0]
    u2 = W1_root.T @ W2_rel[0]
    u3 = W1_rel.T @ W2_root[0]
    u4 = W1_root.T @ W2_root[0]
    U13 = jnp.stack([u1, u3], axis=1).astype(f32)
    U24 = jnp.stack([u2, u4], axis=1).astype(f32)
    cvec = jnp.stack([jnp.dot(b1, W2_rel[0]),
                      jnp.dot(b1, W2_root[0]) + b2[0]]).astype(f32)[:, None]

    src = edge_index[0].astype(jnp.int32)
    dst = edge_index[1].astype(jnp.int32)
    pad = N + (jnp.arange(E_PAD - E, dtype=jnp.int32) % (N_PAD - N))
    srcr = jnp.concatenate([src, pad]).reshape(NW, E_W)
    dstr = jnp.concatenate([dst, pad]).reshape(NW, E_W)

    x_pad = jnp.pad(x, ((0, N_PAD - N), (0, 0)))
    zrows = jnp.zeros((ROWS,), f32)

    q13, q24c = pl.pallas_call(
        _k1_body,
        grid=(GRID,),
        in_specs=[
            pl.BlockSpec((BLK, D_IN), _im_x),
            pl.BlockSpec((D_IN, 2), _im_0),
            pl.BlockSpec((D_IN, 2), _im_0),
            pl.BlockSpec((2, 1), _im_0),
        ],
        out_specs=[pl.BlockSpec((2, BLK), _im_i),
                   pl.BlockSpec((2, BLK), _im_i)],
        out_shape=[jax.ShapeDtypeStruct((2, N_PAD), f32),
                   jax.ShapeDtypeStruct((2, N_PAD), f32)],
    )(x_pad, U13, U24, cvec)

    s1p, s3p = _sc_scatter2(q13[0], q13[1], srcr, dstr, zrows)

    p2 = pl.pallas_call(
        _k3_body,
        grid=(GRID,),
        in_specs=[pl.BlockSpec((2, BLK), _im_i)] * 3,
        out_specs=pl.BlockSpec((2, BLK), _im_i),
        out_shape=jax.ShapeDtypeStruct((2, N_PAD), f32),
    )(s1p, s3p, q24c)

    tp = _sc_scatter1(p2[0], srcr, dstr, zrows)

    out_row = pl.pallas_call(
        _k5_body,
        grid=(GRID,),
        in_specs=[pl.BlockSpec((2, BLK), _im_i)] * 2,
        out_specs=pl.BlockSpec((1, BLK), _im_i),
        out_shape=jax.ShapeDtypeStruct((1, N_PAD), f32),
    )(tp, p2)

    return out_row[0, :N, None]

# --- scband reference (transcript-rebuilt; emitter-appended) ---
"""Pipeline reference for scband-gnn-84189948936590 (READ-ONLY COPY).

The authoritative reference and input builder live on the scoring server;
editing this copy changes nothing except your own understanding.
"""

import jax, jax.numpy as jnp
import numpy as np
jax.config.update("jax_enable_x64", True)

N = 50000
E = 800000
D_IN = 64
D_HID = 128
D_OUT = 1

def setup_inputs(seed: int = 0) -> dict:
    key = jax.random.key(seed)
    ks = jax.random.split(key, 9)
    x = jax.random.normal(ks[0], (N, D_IN), dtype=jnp.float32)
    edge_index = jax.random.randint(ks[1], (2, E), 0, N, dtype=jnp.int64)
    batch = jnp.sort(jax.random.randint(ks[2], (N,), 0, 64, dtype=jnp.int64))
    s1 = 1.0 / np.sqrt(D_IN)
    s2 = 1.0 / np.sqrt(D_HID)
    W1_rel = jax.random.uniform(ks[3], (D_HID, D_IN), jnp.float32, -s1, s1)
    b1 = jax.random.uniform(ks[4], (D_HID,), jnp.float32, -s1, s1)
    W1_root = jax.random.uniform(ks[5], (D_HID, D_IN), jnp.float32, -s1, s1)
    W2_rel = jax.random.uniform(ks[6], (D_OUT, D_HID), jnp.float32, -s2, s2)
    b2 = jax.random.uniform(ks[7], (D_OUT,), jnp.float32, -s2, s2)
    W2_root = jax.random.uniform(ks[8], (D_OUT, D_HID), jnp.float32, -s2, s2)
    return {"x": x, "edge_index": edge_index, "batch": batch,
            "W1_rel": W1_rel, "b1": b1, "W1_root": W1_root,
            "W2_rel": W2_rel, "b2": b2, "W2_root": W2_root}

def _graph_conv(x, edge_index, W_rel, b, W_root):
    # PyG GraphConv: out = lin_rel(sum_{j in N(i)} x_j) + lin_root(x_i)
    src = edge_index[0]
    dst = edge_index[1]
    agg = jnp.zeros_like(x).at[dst].add(x[src])
    return agg @ W_rel.T + b + x @ W_root.T

def reference(x, edge_index, batch, W1_rel, b1, W1_root, W2_rel, b2, W2_root):
    h = _graph_conv(x, edge_index, W1_rel, b1, W1_root)
    out = _graph_conv(h, edge_index, W2_rel, b2, W2_root)
    return out

if __name__ == "__main__":
    import jax
    _d = setup_inputs()
    print(jax.jit(kernel)(*tuple(_d.values())))

</pallas_src>

<mosaic_0001>
#map = affine_map<(d0, d1) -> (0)>
#map1 = affine_map<(d0, d1) -> (0, 0)>
module attributes {stable_mosaic.version = 14 : i64} {
  func.func @_sc_scatter2_body(%arg0: i32, %arg1: i32, %arg2: memref<50176xf32, #tpu.memory_space<hbm>>, %arg3: memref<50176xf32, #tpu.memory_space<hbm>>, %arg4: memref<32x25088xi32, #tpu.memory_space<hbm>>, %arg5: memref<32x25088xi32, #tpu.memory_space<hbm>>, %arg6: memref<3136xf32, #tpu.memory_space<hbm>>, %arg7: memref<2x50176xf32, #tpu.memory_space<hbm>>, %arg8: memref<2x50176xf32, #tpu.memory_space<hbm>>, %arg9: memref<50176xf32, #tpu.memory_space<vmem_shared>>, %arg10: memref<50176xf32, #tpu.memory_space<vmem_shared>>, %arg11: memref<25088xi32, #tpu.memory_space<vmem>>, %arg12: memref<25088xi32, #tpu.memory_space<vmem>>, %arg13: memref<25088xf32, #tpu.memory_space<vmem>>, %arg14: memref<3136xf32, #tpu.memory_space<vmem>>, %arg15: memref<!tpu.dma_semaphore, #tpu.memory_space<semaphore_mem>>) attributes {dimension_semantics = [#tpu.dimension_semantics<core_parallel>, #tpu.dimension_semantics<subcore_parallel>], iteration_bounds = array<i64: 2, 16>, scalar_prefetch = 0 : i64, scratch_operands = 7 : i64, tpu.core_type = #tpu.core_type<sc_vector_subcore>, window_params = [{transform_indices = #map}, {transform_indices = #map}, {transform_indices = #map1}, {transform_indices = #map1}, {transform_indices = #map}, {transform_indices = #map1}, {transform_indices = #map1}]} {
    %mul3A = arith.constant 16 : i32
    %mul3A_0 = arith.muli %arg0, %mul3A : i32
    %add3A = arith.addi %mul3A_0, %arg1 : i32
    %mul3A_1 = arith.constant 3136 : i32
    %mul3A_2 = arith.muli %arg1, %mul3A_1 : i32
    "tpu.region"() ({
      %run_scoped3A = tpu.sem_alloc : memref<!tpu.dma_semaphore, #tpu.memory_space<semaphore_mem>>
      tpu.enqueue_dma source(%arg6 : memref<3136xf32, #tpu.memory_space<hbm>>) target(%arg14 : memref<3136xf32, #tpu.memory_space<vmem>>) target_semaphore(%run_scoped3A : memref<!tpu.dma_semaphore, #tpu.memory_space<semaphore_mem>>)
      tpu.wait_dma2 semaphore(%run_scoped3A : memref<!tpu.dma_semaphore, #tpu.memory_space<semaphore_mem>>) src(%arg6 : memref<3136xf32, #tpu.memory_space<hbm>>) dst(%arg14 : memref<3136xf32, #tpu.memory_space<vmem>>)
      tpu.yield
    }) : () -> ()
    "tpu.region"() ({
      %run_scoped3A = tpu.sem_alloc : memref<!tpu.dma_semaphore, #tpu.memory_space<semaphore_mem>>
      %dma_start3A_10 = tpu.memref_slice %arg9[%mul3A_2] : memref<50176xf32, #tpu.memory_space<vmem_shared>> -> memref<3136xf32, #tpu.memory_space<vmem_shared>>
      %dma_start3A_11 = tpu.memref_slice %arg9[%mul3A_2] : memref<50176xf32, #tpu.memory_space<vmem_shared>> -> memref<3136xf32, #tpu.memory_space<vmem_shared>>
      tpu.enqueue_dma source(%arg14 : memref<3136xf32, #tpu.memory_space<vmem>>) target(%dma_start3A_11 : memref<3136xf32, #tpu.memory_space<vmem_shared>>) target_semaphore(%run_scoped3A : memref<!tpu.dma_semaphore, #tpu.memory_space<semaphore_mem>>)
      %dma_wait3A_12 = tpu.memref_slice %arg9[%mul3A_2] : memref<50176xf32, #tpu.memory_space<vmem_shared>> -> memref<3136xf32, #tpu.memory_space<vmem_shared>>
      %dma_wait3A_13 = tpu.memref_slice %arg9[%mul3A_2] : memref<50176xf32, #tpu.memory_space<vmem_shared>> -> memref<3136xf32, #tpu.memory_space<vmem_shared>>
      tpu.wait_dma2 semaphore(%run_scoped3A : memref<!tpu.dma_semaphore, #tpu.memory_space<semaphore_mem>>) src(%arg14 : memref<3136xf32, #tpu.memory_space<vmem>>) dst(%dma_wait3A_13 : memref<3136xf32, #tpu.memory_space<vmem_shared>>)
      tpu.yield
    }) : () -> ()
    "tpu.region"() ({
      %run_scoped3A = tpu.sem_alloc : memref<!tpu.dma_semaphore, #tpu.memory_space<semaphore_mem>>
      %dma_start3A_10 = tpu.memref_slice %arg10[%mul3A_2] : memref<50176xf32, #tpu.memory_space<vmem_shared>> -> memref<3136xf32, #tpu.memory_space<vmem_shared>>
      %dma_start3A_11 = tpu.memref_slice %arg10[%mul3A_2] : memref<50176xf32, #tpu.memory_space<vmem_shared>> -> memref<3136xf32, #tpu.memory_space<vmem_shared>>
      tpu.enqueue_dma source(%arg14 : memref<3136xf32, #tpu.memory_space<vmem>>) target(%dma_start3A_11 : memref<3136xf32, #tpu.memory_space<vmem_shared>>) target_semaphore(%run_scoped3A : memref<!tpu.dma_semaphore, #tpu.memory_space<semaphore_mem>>)
      %dma_wait3A_12 = tpu.memref_slice %arg10[%mul3A_2] : memref<50176xf32, #tpu.memory_space<vmem_shared>> -> memref<3136xf32, #tpu.memory_space<vmem_shared>>
      %dma_wait3A_13 = tpu.memref_slice %arg10[%mul3A_2] : memref<50176xf32, #tpu.memory_space<vmem_shared>> -> memref<3136xf32, #tpu.memory_space<vmem_shared>>
      tpu.wait_dma2 semaphore(%run_scoped3A : memref<!tpu.dma_semaphore, #tpu.memory_space<semaphore_mem>>) src(%arg14 : memref<3136xf32, #tpu.memory_space<vmem>>) dst(%dma_wait3A_13 : memref<3136xf32, #tpu.memory_space<vmem_shared>>)
      tpu.yield
    }) : () -> ()
    "tpu.region"() ({
      %run_scoped3A = tpu.sem_alloc : memref<!tpu.dma_semaphore, #tpu.memory_space<semaphore_mem>>
      %dma_start3A_10 = arith.constant 0 : i32
      %dma_start3A_11 = tpu.memref_slice %arg4[%add3A, %dma_start3A_10] : memref<32x25088xi32, #tpu.memory_space<hbm>> -> memref<1x25088xi32, #tpu.memory_space<hbm>>
      %dma_start3A_12 = tpu.memref_squeeze %dma_start3A_11 : memref<1x25088xi32, #tpu.memory_space<hbm>> -> memref<25088xi32, #tpu.memory_space<hbm>>
      %dma_start3A_13 = arith.constant 0 : i32
      %dma_start3A_14 = tpu.memref_slice %arg4[%add3A, %dma_start3A_13] : memref<32x25088xi32, #tpu.memory_space<hbm>> -> memref<1x25088xi32, #tpu.memory_space<hbm>>
      %dma_start3A_15 = tpu.memref_squeeze %dma_start3A_14 : memref<1x25088xi32, #tpu.memory_space<hbm>> -> memref<25088xi32, #tpu.memory_space<hbm>>
      tpu.enqueue_dma source(%dma_start3A_15 : memref<25088xi32, #tpu.memory_space<hbm>>) target(%arg11 : memref<25088xi32, #tpu.memory_space<vmem>>) target_semaphore(%run_scoped3A : memref<!tpu.dma_semaphore, #tpu.memory_space<semaphore_mem>>)
      %dma_wait3A_16 = arith.constant 0 : i32
      %dma_wait3A_17 = tpu.memref_slice %arg4[%add3A, %dma_wait3A_16] : memref<32x25088xi32, #tpu.memory_space<hbm>> -> memref<1x25088xi32, #tpu.memory_space<hbm>>
      %dma_wait3A_18 = tpu.memref_squeeze %dma_wait3A_17 : memref<1x25088xi32, #tpu.memory_space<hbm>> -> memref<25088xi32, #tpu.memory_space<hbm>>
      %dma_wait3A_19 = arith.constant 0 : i32
      %dma_wait3A_20 = tpu.memref_slice %arg4[%add3A, %dma_wait3A_19] : memref<32x25088xi32, #tpu.memory_space<hbm>> -> memref<1x25088xi32, #tpu.memory_space<hbm>>
      %dma_wait3A_21 = tpu.memref_squeeze %dma_wait3A_20 : memref<1x25088xi32, #tpu.memory_space<hbm>> -> memref<25088xi32, #tpu.memory_space<hbm>>
      tpu.wait_dma2 semaphore(%run_scoped3A : memref<!tpu.dma_semaphore, #tpu.memory_space<semaphore_mem>>) src(%dma_wait3A_21 : memref<25088xi32, #tpu.memory_space<hbm>>) dst(%arg11 : memref<25088xi32, #tpu.memory_space<vmem>>)
      tpu.yield
    }) : () -> ()
    "tpu.region"() ({
      %run_scoped3A = tpu.sem_alloc : memref<!tpu.dma_semaphore, #tpu.memory_space<semaphore_mem>>
      %dma_start3A_10 = arith.constant 0 : i32
      %dma_start3A_11 = tpu.memref_slice %arg5[%add3A, %dma_start3A_10] : memref<32x25088xi32, #tpu.memory_space<hbm>> -> memref<1x25088xi32, #tpu.memory_space<hbm>>
      %dma_start3A_12 = tpu.memref_squeeze %dma_start3A_11 : memref<1x25088xi32, #tpu.memory_space<hbm>> -> memref<25088xi32, #tpu.memory_space<hbm>>
      %dma_start3A_13 = arith.constant 0 : i32
      %dma_start3A_14 = tpu.memref_slice %arg5[%add3A, %dma_start3A_13] : memref<32x25088xi32, #tpu.memory_space<hbm>> -> memref<1x25088xi32, #tpu.memory_space<hbm>>
      %dma_start3A_15 = tpu.memref_squeeze %dma_start3A_14 : memref<1x25088xi32, #tpu.memory_space<hbm>> -> memref<25088xi32, #tpu.memory_space<hbm>>
      tpu.enqueue_dma source(%dma_start3A_15 : memref<25088xi32, #tpu.memory_space<hbm>>) target(%arg12 : memref<25088xi32, #tpu.memory_space<vmem>>) target_semaphore(%run_scoped3A : memref<!tpu.dma_semaphore, #tpu.memory_space<semaphore_mem>>)
      %dma_wait3A_16 = arith.constant 0 : i32
      %dma_wait3A_17 = tpu.memref_slice %arg5[%add3A, %dma_wait3A_16] : memref<32x25088xi32, #tpu.memory_space<hbm>> -> memref<1x25088xi32, #tpu.memory_space<hbm>>
      %dma_wait3A_18 = tpu.memref_squeeze %dma_wait3A_17 : memref<1x25088xi32, #tpu.memory_space<hbm>> -> memref<25088xi32, #tpu.memory_space<hbm>>
      %dma_wait3A_19 = arith.constant 0 : i32
      %dma_wait3A_20 = tpu.memref_slice %arg5[%add3A, %dma_wait3A_19] : memref<32x25088xi32, #tpu.memory_space<hbm>> -> memref<1x25088xi32, #tpu.memory_space<hbm>>
      %dma_wait3A_21 = tpu.memref_squeeze %dma_wait3A_20 : memref<1x25088xi32, #tpu.memory_space<hbm>> -> memref<25088xi32, #tpu.memory_space<hbm>>
      tpu.wait_dma2 semaphore(%run_scoped3A : memref<!tpu.dma_semaphore, #tpu.memory_space<semaphore_mem>>) src(%dma_wait3A_21 : memref<25088xi32, #tpu.memory_space<hbm>>) dst(%arg12 : memref<25088xi32, #tpu.memory_space<vmem>>)
      tpu.yield
    }) : () -> ()
    %barrier3A = arith.constant 0 : index
    tpu.barrier barrier_id(%barrier3A)
    %dma_start3A = arith.constant 0 : i32
    %dma_start3A_3 = tpu.memref_slice %arg2[%dma_start3A] : memref<50176xf32, #tpu.memory_space<hbm>> -> memref<50176xf32, #tpu.memory_space<hbm>>
    tpu.enqueue_indirect_dma source(%dma_start3A_3 : memref<50176xf32, #tpu.memory_space<hbm>>) target(%arg13 : memref<25088xf32, #tpu.memory_space<vmem>>) offsets(%arg11 : memref<25088xi32, #tpu.memory_space<vmem>>) semaphore(%arg15 : memref<!tpu.dma_semaphore, #tpu.memory_space<semaphore_mem>>)
    %dma_wait3A = arith.constant 0 : i32
    %dma_wait3A_4 = tpu.memref_slice %arg2[%dma_wait3A] : memref<50176xf32, #tpu.memory_space<hbm>> -> memref<50176xf32, #tpu.memory_space<hbm>>
    tpu.wait_indirect_dma semaphore(%arg15 : memref<!tpu.dma_semaphore, #tpu.memory_space<semaphore_mem>>) src(%dma_wait3A_4 : memref<50176xf32, #tpu.memory_space<hbm>>) dst(%arg13 : memref<25088xf32, #tpu.memory_space<vmem>>)
    "tpu.region"() ({
      %run_scoped3A = tpu.sem_alloc : memref<!tpu.dma_semaphore, #tpu.memory_space<semaphore_mem>>
      %dma_start3A_10 = arith.constant 0 : i32
      %dma_start3A_11 = tpu.memref_slice %arg9[%dma_start3A_10] : memref<50176xf32, #tpu.memory_space<vmem_shared>> -> memref<50176xf32, #tpu.memory_space<vmem_shared>>
      tpu.enqueue_indirect_dma source(%arg13 : memref<25088xf32, #tpu.memory_space<vmem>>) target(%dma_start3A_11 : memref<50176xf32, #tpu.memory_space<vmem_shared>>) offsets(%arg12 : memref<25088xi32, #tpu.memory_space<vmem>>) semaphore(%run_scoped3A : memref<!tpu.dma_semaphore, #tpu.memory_space<semaphore_mem>>) {add = true}
      %dma_wait3A_12 = arith.constant 0 : i32
      %dma_wait3A_13 = tpu.memref_slice %arg9[%dma_wait3A_12] : memref<50176xf32, #tpu.memory_space<vmem_shared>> -> memref<50176xf32, #tpu.memory_space<vmem_shared>>
      tpu.wait_indirect_dma semaphore(%run_scoped3A : memref<!tpu.dma_semaphore, #tpu.memory_space<semaphore_mem>>) src(%arg13 : memref<25088xf32, #tpu.memory_space<vmem>>) dst(%dma_wait3A_13 : memref<50176xf32, #tpu.memory_space<vmem_shared>>)
      tpu.yield
    }) : () -> ()
    %dma_start3A_5 = arith.constant 0 : i32
    %dma_start3A_6 = tpu.memref_slice %arg3[%dma_start3A_5] : memref<50176xf32, #tpu.memory_space<hbm>> -> memref<50176xf32, #tpu.memory_space<hbm>>
    tpu.enqueue_indirect_dma source(%dma_start3A_6 : memref<50176xf32, #tpu.memory_space<hbm>>) target(%arg13 : memref<25088xf32, #tpu.memory_space<vmem>>) offsets(%arg11 : memref<25088xi32, #tpu.memory_space<vmem>>) semaphore(%arg15 : memref<!tpu.dma_semaphore, #tpu.memory_space<semaphore_mem>>)
    %dma_wait3A_7 = arith.constant 0 : i32
    %dma_wait3A_8 = tpu.memref_slice %arg3[%dma_wait3A_7] : memref<50176xf32, #tpu.memory_space<hbm>> -> memref<50176xf32, #tpu.memory_space<hbm>>
    tpu.wait_indirect_dma semaphore(%arg15 : memref<!tpu.dma_semaphore, #tpu.memory_space<semaphore_mem>>) src(%dma_wait3A_8 : memref<50176xf32, #tpu.memory_space<hbm>>) dst(%arg13 : memref<25088xf32, #tpu.memory_space<vmem>>)
    "tpu.region"() ({
      %run_scoped3A = tpu.sem_alloc : memref<!tpu.dma_semaphore, #tpu.memory_space<semaphore_mem>>
      %dma_start3A_10 = arith.constant 0 : i32
      %dma_start3A_11 = tpu.memref_slice %arg10[%dma_start3A_10] : memref<50176xf32, #tpu.memory_space<vmem_shared>> -> memref<50176xf32, #tpu.memory_space<vmem_shared>>
      tpu.enqueue_indirect_dma source(%arg13 : memref<25088xf32, #tpu.memory_space<vmem>>) target(%dma_start3A_11 : memref<50176xf32, #tpu.memory_space<vmem_shared>>) offsets(%arg12 : memref<25088xi32, #tpu.memory_space<vmem>>) semaphore(%run_scoped3A : memref<!tpu.dma_semaphore, #tpu.memory_space<semaphore_mem>>) {add = true}
      %dma_wait3A_12 = arith.constant 0 : i32
      %dma_wait3A_13 = tpu.memref_slice %arg10[%dma_wait3A_12] : memref<50176xf32, #tpu.memory_space<vmem_shared>> -> memref<50176xf32, #tpu.memory_space<vmem_shared>>
      tpu.wait_indirect_dma semaphore(%run_scoped3A : memref<!tpu.dma_semaphore, #tpu.memory_space<semaphore_mem>>) src(%arg13 : memref<25088xf32, #tpu.memory_space<vmem>>) dst(%dma_wait3A_13 : memref<50176xf32, #tpu.memory_space<vmem_shared>>)
      tpu.yield
    }) : () -> ()
    %barrier3A_9 = arith.constant 0 : index
    tpu.barrier barrier_id(%barrier3A_9)
    "tpu.region"() ({
      %run_scoped3A = tpu.sem_alloc : memref<!tpu.dma_semaphore, #tpu.memory_space<semaphore_mem>>
      %dma_start3A_10 = tpu.memref_slice %arg9[%mul3A_2] : memref<50176xf32, #tpu.memory_space<vmem_shared>> -> memref<3136xf32, #tpu.memory_space<vmem_shared>>
      %dma_start3A_11 = tpu.memref_slice %arg9[%mul3A_2] : memref<50176xf32, #tpu.memory_space<vmem_shared>> -> memref<3136xf32, #tpu.memory_space<vmem_shared>>
      tpu.enqueue_dma source(%dma_start3A_11 : memref<3136xf32, #tpu.memory_space<vmem_shared>>) target(%arg14 : memref<3136xf32, #tpu.memory_space<vmem>>) target_semaphore(%run_scoped3A : memref<!tpu.dma_semaphore, #tpu.memory_space<semaphore_mem>>)
      %dma_wait3A_12 = tpu.memref_slice %arg9[%mul3A_2] : memref<50176xf32, #tpu.memory_space<vmem_shared>> -> memref<3136xf32, #tpu.memory_space<vmem_shared>>
      %dma_wait3A_13 = tpu.memref_slice %arg9[%mul3A_2] : memref<50176xf32, #tpu.memory_space<vmem_shared>> -> memref<3136xf32, #tpu.memory_space<vmem_shared>>
      tpu.wait_dma2 semaphore(%run_scoped3A : memref<!tpu.dma_semaphore, #tpu.memory_space<semaphore_mem>>) src(%dma_wait3A_13 : memref<3136xf32, #tpu.memory_space<vmem_shared>>) dst(%arg14 : memref<3136xf32, #tpu.memory_space<vmem>>)
      tpu.yield
    }) : () -> ()
    "tpu.region"() ({
      %run_scoped3A = tpu.sem_alloc : memref<!tpu.dma_semaphore, #tpu.memory_space<semaphore_mem>>
      %dma_start3A_10 = tpu.memref_slice %arg7[%arg0, %mul3A_2] : memref<2x50176xf32, #tpu.memory_space<hbm>> -> memref<1x3136xf32, #tpu.memory_space<hbm>>
      %dma_start3A_11 = tpu.memref_squeeze %dma_start3A_10 : memref<1x3136xf32, #tpu.memory_space<hbm>> -> memref<3136xf32, #tpu.memory_space<hbm>>
      %dma_start3A_12 = tpu.memref_slice %arg7[%arg0, %mul3A_2] : memref<2x50176xf32, #tpu.memory_space<hbm>> -> memref<1x3136xf32, #tpu.memory_space<hbm>>
      %dma_start3A_13 = tpu.memref_squeeze %dma_start3A_12 : memref<1x3136xf32, #tpu.memory_space<hbm>> -> memref<3136xf32, #tpu.memory_space<hbm>>
      tpu.enqueue_dma source(%arg14 : memref<3136xf32, #tpu.memory_space<vmem>>) target(%dma_start3A_13 : memref<3136xf32, #tpu.memory_space<hbm>>) target_semaphore(%run_scoped3A : memref<!tpu.dma_semaphore, #tpu.memory_space<semaphore_mem>>)
      %dma_wait3A_14 = tpu.memref_slice %arg7[%arg0, %mul3A_2] : memref<2x50176xf32, #tpu.memory_space<hbm>> -> memref<1x3136xf32, #tpu.memory_space<hbm>>
      %dma_wait3A_15 = tpu.memref_squeeze %dma_wait3A_14 : memref<1x3136xf32, #tpu.memory_space<hbm>> -> memref<3136xf32, #tpu.memory_space<hbm>>
      %dma_wait3A_16 = tpu.memref_slice %arg7[%arg0, %mul3A_2] : memref<2x50176xf32, #tpu.memory_space<hbm>> -> memref<1x3136xf32, #tpu.memory_space<hbm>>
      %dma_wait3A_17 = tpu.memref_squeeze %dma_wait3A_16 : memref<1x3136xf32, #tpu.memory_space<hbm>> -> memref<3136xf32, #tpu.memory_space<hbm>>
      tpu.wait_dma2 semaphore(%run_scoped3A : memref<!tpu.dma_semaphore, #tpu.memory_space<semaphore_mem>>) src(%arg14 : memref<3136xf32, #tpu.memory_space<vmem>>) dst(%dma_wait3A_17 : memref<3136xf32, #tpu.memory_space<hbm>>)
      tpu.yield
    }) : () -> ()
    "tpu.region"() ({
      %run_scoped3A = tpu.sem_alloc : memref<!tpu.dma_semaphore, #tpu.memory_space<semaphore_mem>>
      %dma_start3A_10 = tpu.memref_slice %arg10[%mul3A_2] : memref<50176xf32, #tpu.memory_space<vmem_shared>> -> memref<3136xf32, #tpu.memory_space<vmem_shared>>
      %dma_start3A_11 = tpu.memref_slice %arg10[%mul3A_2] : memref<50176xf32, #tpu.memory_space<vmem_shared>> -> memref<3136xf32, #tpu.memory_space<vmem_shared>>
      tpu.enqueue_dma source(%dma_start3A_11 : memref<3136xf32, #tpu.memory_space<vmem_shared>>) target(%arg14 : memref<3136xf32, #tpu.memory_space<vmem>>) target_semaphore(%run_scoped3A : memref<!tpu.dma_semaphore, #tpu.memory_space<semaphore_mem>>)
      %dma_wait3A_12 = tpu.memref_slice %arg10[%mul3A_2] : memref<50176xf32, #tpu.memory_space<vmem_shared>> -> memref<3136xf32, #tpu.memory_space<vmem_shared>>
      %dma_wait3A_13 = tpu.memref_slice %arg10[%mul3A_2] : memref<50176xf32, #tpu.memory_space<vmem_shared>> -> memref<3136xf32, #tpu.memory_space<vmem_shared>>
      tpu.wait_dma2 semaphore(%run_scoped3A : memref<!tpu.dma_semaphore, #tpu.memory_space<semaphore_mem>>) src(%dma_wait3A_13 : memref<3136xf32, #tpu.memory_space<vmem_shared>>) dst(%arg14 : memref<3136xf32, #tpu.memory_space<vmem>>)
      tpu.yield
    }) : () -> ()
    "tpu.region"() ({
      %run_scoped3A = tpu.sem_alloc : memref<!tpu.dma_semaphore, #tpu.memory_space<semaphore_mem>>
      %dma_start3A_10 = tpu.memref_slice %arg8[%arg0, %mul3A_2] : memref<2x50176xf32, #tpu.memory_space<hbm>> -> memref<1x3136xf32, #tpu.memory_space<hbm>>
      %dma_start3A_11 = tpu.memref_squeeze %dma_start3A_10 : memref<1x3136xf32, #tpu.memory_space<hbm>> -> memref<3136xf32, #tpu.memory_space<hbm>>
      %dma_start3A_12 = tpu.memref_slice %arg8[%arg0, %mul3A_2] : memref<2x50176xf32, #tpu.memory_space<hbm>> -> memref<1x3136xf32, #tpu.memory_space<hbm>>
      %dma_start3A_13 = tpu.memref_squeeze %dma_start3A_12 : memref<1x3136xf32, #tpu.memory_space<hbm>> -> memref<3136xf32, #tpu.memory_space<hbm>>
      tpu.enqueue_dma source(%arg14 : memref<3136xf32, #tpu.memory_space<vmem>>) target(%dma_start3A_13 : memref<3136xf32, #tpu.memory_space<hbm>>) target_semaphore(%run_scoped3A : memref<!tpu.dma_semaphore, #tpu.memory_space<semaphore_mem>>)
      %dma_wait3A_14 = tpu.memref_slice %arg8[%arg0, %mul3A_2] : memref<2x50176xf32, #tpu.memory_space<hbm>> -> memref<1x3136xf32, #tpu.memory_space<hbm>>
      %dma_wait3A_15 = tpu.memref_squeeze %dma_wait3A_14 : memref<1x3136xf32, #tpu.memory_space<hbm>> -> memref<3136xf32, #tpu.memory_space<hbm>>
      %dma_wait3A_16 = tpu.memref_slice %arg8[%arg0, %mul3A_2] : memref<2x50176xf32, #tpu.memory_space<hbm>> -> memref<1x3136xf32, #tpu.memory_space<hbm>>
      %dma_wait3A_17 = tpu.memref_squeeze %dma_wait3A_16 : memref<1x3136xf32, #tpu.memory_space<hbm>> -> memref<3136xf32, #tpu.memory_space<hbm>>
      tpu.wait_dma2 semaphore(%run_scoped3A : memref<!tpu.dma_semaphore, #tpu.memory_space<semaphore_mem>>) src(%arg14 : memref<3136xf32, #tpu.memory_space<vmem>>) dst(%dma_wait3A_17 : memref<3136xf32, #tpu.memory_space<hbm>>)
      tpu.yield
    }) : () -> ()
    return
  }
}

#map = affine_map<(d0, d1) -> (0)>
#map1 = affine_map<(d0, d1) -> (0, 0)>
module attributes {stable_mosaic.version = 14 : i64} {
  func.func @_sc_scatter1_body(%arg0: i32, %arg1: i32, %arg2: memref<50176xf32, #tpu.memory_space<hbm>>, %arg3: memref<32x25088xi32, #tpu.memory_space<hbm>>, %arg4: memref<32x25088xi32, #tpu.memory_space<hbm>>, %arg5: memref<3136xf32, #tpu.memory_space<hbm>>, %arg6: memref<2x50176xf32, #tpu.memory_space<hbm>>, %arg7: memref<50176xf32, #tpu.memory_space<vmem_shared>>, %arg8: memref<25088xi32, #tpu.memory_space<vmem>>, %arg9: memref<25088xi32, #tpu.memory_space<vmem>>, %arg10: memref<25088xf32, #tpu.memory_space<vmem>>, %arg11: memref<3136xf32, #tpu.memory_space<vmem>>, %arg12: memref<!tpu.dma_semaphore, #tpu.memory_space<semaphore_mem>>) attributes {dimension_semantics = [#tpu.dimension_semantics<core_parallel>, #tpu.dimension_semantics<subcore_parallel>], iteration_bounds = array<i64: 2, 16>, scalar_prefetch = 0 : i64, scratch_operands = 6 : i64, tpu.core_type = #tpu.core_type<sc_vector_subcore>, window_params = [{transform_indices = #map}, {transform_indices = #map1}, {transform_indices = #map1}, {transform_indices = #map}, {transform_indices = #map1}]} {
    %mul3A = arith.constant 16 : i32
    %mul3A_0 = arith.muli %arg0, %mul3A : i32
    %add3A = arith.addi %mul3A_0, %arg1 : i32
    %mul3A_1 = arith.constant 3136 : i32
    %mul3A_2 = arith.muli %arg1, %mul3A_1 : i32
    "tpu.region"() ({
      %run_scoped3A = tpu.sem_alloc : memref<!tpu.dma_semaphore, #tpu.memory_space<semaphore_mem>>
      tpu.enqueue_dma source(%arg5 : memref<3136xf32, #tpu.memory_space<hbm>>) target(%arg11 : memref<3136xf32, #tpu.memory_space<vmem>>) target_semaphore(%run_scoped3A : memref<!tpu.dma_semaphore, #tpu.memory_space<semaphore_mem>>)
      tpu.wait_dma2 semaphore(%run_scoped3A : memref<!tpu.dma_semaphore, #tpu.memory_space<semaphore_mem>>) src(%arg5 : memref<3136xf32, #tpu.memory_space<hbm>>) dst(%arg11 : memref<3136xf32, #tpu.memory_space<vmem>>)
      tpu.yield
    }) : () -> ()
    "tpu.region"() ({
      %run_scoped3A = tpu.sem_alloc : memref<!tpu.dma_semaphore, #tpu.memory_space<semaphore_mem>>
      %dma_start3A_6 = tpu.memref_slice %arg7[%mul3A_2] : memref<50176xf32, #tpu.memory_space<vmem_shared>> -> memref<3136xf32, #tpu.memory_space<vmem_shared>>
      %dma_start3A_7 = tpu.memref_slice %arg7[%mul3A_2] : memref<50176xf32, #tpu.memory_space<vmem_shared>> -> memref<3136xf32, #tpu.memory_space<vmem_shared>>
      tpu.enqueue_dma source(%arg11 : memref<3136xf32, #tpu.memory_space<vmem>>) target(%dma_start3A_7 : memref<3136xf32, #tpu.memory_space<vmem_shared>>) target_semaphore(%run_scoped3A : memref<!tpu.dma_semaphore, #tpu.memory_space<semaphore_mem>>)
      %dma_wait3A_8 = tpu.memref_slice %arg7[%mul3A_2] : memref<50176xf32, #tpu.memory_space<vmem_shared>> -> memref<3136xf32, #tpu.memory_space<vmem_shared>>
      %dma_wait3A_9 = tpu.memref_slice %arg7[%mul3A_2] : memref<50176xf32, #tpu.memory_space<vmem_shared>> -> memref<3136xf32, #tpu.memory_space<vmem_shared>>
      tpu.wait_dma2 semaphore(%run_scoped3A : memref<!tpu.dma_semaphore, #tpu.memory_space<semaphore_mem>>) src(%arg11 : memref<3136xf32, #tpu.memory_space<vmem>>) dst(%dma_wait3A_9 : memref<3136xf32, #tpu.memory_space<vmem_shared>>)
      tpu.yield
    }) : () -> ()
    "tpu.region"() ({
      %run_scoped3A = tpu.sem_alloc : memref<!tpu.dma_semaphore, #tpu.memory_space<semaphore_mem>>
      %dma_start3A_6 = arith.constant 0 : i32
      %dma_start3A_7 = tpu.memref_slice %arg3[%add3A, %dma_start3A_6] : memref<32x25088xi32, #tpu.memory_space<hbm>> -> memref<1x25088xi32, #tpu.memory_space<hbm>>
      %dma_start3A_8 = tpu.memref_squeeze %dma_start3A_7 : memref<1x25088xi32, #tpu.memory_space<hbm>> -> memref<25088xi32, #tpu.memory_space<hbm>>
      %dma_start3A_9 = arith.constant 0 : i32
      %dma_start3A_10 = tpu.memref_slice %arg3[%add3A, %dma_start3A_9] : memref<32x25088xi32, #tpu.memory_space<hbm>> -> memref<1x25088xi32, #tpu.memory_space<hbm>>
      %dma_start3A_11 = tpu.memref_squeeze %dma_start3A_10 : memref<1x25088xi32, #tpu.memory_space<hbm>> -> memref<25088xi32, #tpu.memory_space<hbm>>
      tpu.enqueue_dma source(%dma_start3A_11 : memref<25088xi32, #tpu.memory_space<hbm>>) target(%arg8 : memref<25088xi32, #tpu.memory_space<vmem>>) target_semaphore(%run_scoped3A : memref<!tpu.dma_semaphore, #tpu.memory_space<semaphore_mem>>)
      %dma_wait3A_12 = arith.constant 0 : i32
      %dma_wait3A_13 = tpu.memref_slice %arg3[%add3A, %dma_wait3A_12] : memref<32x25088xi32, #tpu.memory_space<hbm>> -> memref<1x25088xi32, #tpu.memory_space<hbm>>
      %dma_wait3A_14 = tpu.memref_squeeze %dma_wait3A_13 : memref<1x25088xi32, #tpu.memory_space<hbm>> -> memref<25088xi32, #tpu.memory_space<hbm>>
      %dma_wait3A_15 = arith.constant 0 : i32
      %dma_wait3A_16 = tpu.memref_slice %arg3[%add3A, %dma_wait3A_15] : memref<32x25088xi32, #tpu.memory_space<hbm>> -> memref<1x25088xi32, #tpu.memory_space<hbm>>
      %dma_wait3A_17 = tpu.memref_squeeze %dma_wait3A_16 : memref<1x25088xi32, #tpu.memory_space<hbm>> -> memref<25088xi32, #tpu.memory_space<hbm>>
      tpu.wait_dma2 semaphore(%run_scoped3A : memref<!tpu.dma_semaphore, #tpu.memory_space<semaphore_mem>>) src(%dma_wait3A_17 : memref<25088xi32, #tpu.memory_space<hbm>>) dst(%arg8 : memref<25088xi32, #tpu.memory_space<vmem>>)
      tpu.yield
    }) : () -> ()
    "tpu.region"() ({
      %run_scoped3A = tpu.sem_alloc : memref<!tpu.dma_semaphore, #tpu.memory_space<semaphore_mem>>
      %dma_start3A_6 = arith.constant 0 : i32
      %dma_start3A_7 = tpu.memref_slice %arg4[%add3A, %dma_start3A_6] : memref<32x25088xi32, #tpu.memory_space<hbm>> -> memref<1x25088xi32, #tpu.memory_space<hbm>>
      %dma_start3A_8 = tpu.memref_squeeze %dma_start3A_7 : memref<1x25088xi32, #tpu.memory_space<hbm>> -> memref<25088xi32, #tpu.memory_space<hbm>>
      %dma_start3A_9 = arith.constant 0 : i32
      %dma_start3A_10 = tpu.memref_slice %arg4[%add3A, %dma_start3A_9] : memref<32x25088xi32, #tpu.memory_space<hbm>> -> memref<1x25088xi32, #tpu.memory_space<hbm>>
      %dma_start3A_11 = tpu.memref_squeeze %dma_start3A_10 : memref<1x25088xi32, #tpu.memory_space<hbm>> -> memref<25088xi32, #tpu.memory_space<hbm>>
      tpu.enqueue_dma source(%dma_start3A_11 : memref<25088xi32, #tpu.memory_space<hbm>>) target(%arg9 : memref<25088xi32, #tpu.memory_space<vmem>>) target_semaphore(%run_scoped3A : memref<!tpu.dma_semaphore, #tpu.memory_space<semaphore_mem>>)
      %dma_wait3A_12 = arith.constant 0 : i32
      %dma_wait3A_13 = tpu.memref_slice %arg4[%add3A, %dma_wait3A_12] : memref<32x25088xi32, #tpu.memory_space<hbm>> -> memref<1x25088xi32, #tpu.memory_space<hbm>>
      %dma_wait3A_14 = tpu.memref_squeeze %dma_wait3A_13 : memref<1x25088xi32, #tpu.memory_space<hbm>> -> memref<25088xi32, #tpu.memory_space<hbm>>
      %dma_wait3A_15 = arith.constant 0 : i32
      %dma_wait3A_16 = tpu.memref_slice %arg4[%add3A, %dma_wait3A_15] : memref<32x25088xi32, #tpu.memory_space<hbm>> -> memref<1x25088xi32, #tpu.memory_space<hbm>>
      %dma_wait3A_17 = tpu.memref_squeeze %dma_wait3A_16 : memref<1x25088xi32, #tpu.memory_space<hbm>> -> memref<25088xi32, #tpu.memory_space<hbm>>
      tpu.wait_dma2 semaphore(%run_scoped3A : memref<!tpu.dma_semaphore, #tpu.memory_space<semaphore_mem>>) src(%dma_wait3A_17 : memref<25088xi32, #tpu.memory_space<hbm>>) dst(%arg9 : memref<25088xi32, #tpu.memory_space<vmem>>)
      tpu.yield
    }) : () -> ()
    %barrier3A = arith.constant 0 : index
    tpu.barrier barrier_id(%barrier3A)
    %dma_start3A = arith.constant 0 : i32
    %dma_start3A_3 = tpu.memref_slice %arg2[%dma_start3A] : memref<50176xf32, #tpu.memory_space<hbm>> -> memref<50176xf32, #tpu.memory_space<hbm>>
    tpu.enqueue_indirect_dma source(%dma_start3A_3 : memref<50176xf32, #tpu.memory_space<hbm>>) target(%arg10 : memref<25088xf32, #tpu.memory_space<vmem>>) offsets(%arg8 : memref<25088xi32, #tpu.memory_space<vmem>>) semaphore(%arg12 : memref<!tpu.dma_semaphore, #tpu.memory_space<semaphore_mem>>)
    %dma_wait3A = arith.constant 0 : i32
    %dma_wait3A_4 = tpu.memref_slice %arg2[%dma_wait3A] : memref<50176xf32, #tpu.memory_space<hbm>> -> memref<50176xf32, #tpu.memory_space<hbm>>
    tpu.wait_indirect_dma semaphore(%arg12 : memref<!tpu.dma_semaphore, #tpu.memory_space<semaphore_mem>>) src(%dma_wait3A_4 : memref<50176xf32, #tpu.memory_space<hbm>>) dst(%arg10 : memref<25088xf32, #tpu.memory_space<vmem>>)
    "tpu.region"() ({
      %run_scoped3A = tpu.sem_alloc : memref<!tpu.dma_semaphore, #tpu.memory_space<semaphore_mem>>
      %dma_start3A_6 = arith.constant 0 : i32
      %dma_start3A_7 = tpu.memref_slice %arg7[%dma_start3A_6] : memref<50176xf32, #tpu.memory_space<vmem_shared>> -> memref<50176xf32, #tpu.memory_space<vmem_shared>>
      tpu.enqueue_indirect_dma source(%arg10 : memref<25088xf32, #tpu.memory_space<vmem>>) target(%dma_start3A_7 : memref<50176xf32, #tpu.memory_space<vmem_shared>>) offsets(%arg9 : memref<25088xi32, #tpu.memory_space<vmem>>) semaphore(%run_scoped3A : memref<!tpu.dma_semaphore, #tpu.memory_space<semaphore_mem>>) {add = true}
      %dma_wait3A_8 = arith.constant 0 : i32
      %dma_wait3A_9 = tpu.memref_slice %arg7[%dma_wait3A_8] : memref<50176xf32, #tpu.memory_space<vmem_shared>> -> memref<50176xf32, #tpu.memory_space<vmem_shared>>
      tpu.wait_indirect_dma semaphore(%run_scoped3A : memref<!tpu.dma_semaphore, #tpu.memory_space<semaphore_mem>>) src(%arg10 : memref<25088xf32, #tpu.memory_space<vmem>>) dst(%dma_wait3A_9 : memref<50176xf32, #tpu.memory_space<vmem_shared>>)
      tpu.yield
    }) : () -> ()
    %barrier3A_5 = arith.constant 0 : index
    tpu.barrier barrier_id(%barrier3A_5)
    "tpu.region"() ({
      %run_scoped3A = tpu.sem_alloc : memref<!tpu.dma_semaphore, #tpu.memory_space<semaphore_mem>>
      %dma_start3A_6 = tpu.memref_slice %arg7[%mul3A_2] : memref<50176xf32, #tpu.memory_space<vmem_shared>> -> memref<3136xf32, #tpu.memory_space<vmem_shared>>
      %dma_start3A_7 = tpu.memref_slice %arg7[%mul3A_2] : memref<50176xf32, #tpu.memory_space<vmem_shared>> -> memref<3136xf32, #tpu.memory_space<vmem_shared>>
      tpu.enqueue_dma source(%dma_start3A_7 : memref<3136xf32, #tpu.memory_space<vmem_shared>>) target(%arg11 : memref<3136xf32, #tpu.memory_space<vmem>>) target_semaphore(%run_scoped3A : memref<!tpu.dma_semaphore, #tpu.memory_space<semaphore_mem>>)
      %dma_wait3A_8 = tpu.memref_slice %arg7[%mul3A_2] : memref<50176xf32, #tpu.memory_space<vmem_shared>> -> memref<3136xf32, #tpu.memory_space<vmem_shared>>
      %dma_wait3A_9 = tpu.memref_slice %arg7[%mul3A_2] : memref<50176xf32, #tpu.memory_space<vmem_shared>> -> memref<3136xf32, #tpu.memory_space<vmem_shared>>
      tpu.wait_dma2 semaphore(%run_scoped3A : memref<!tpu.dma_semaphore, #tpu.memory_space<semaphore_mem>>) src(%dma_wait3A_9 : memref<3136xf32, #tpu.memory_space<vmem_shared>>) dst(%arg11 : memref<3136xf32, #tpu.memory_space<vmem>>)
      tpu.yield
    }) : () -> ()
    "tpu.region"() ({
      %run_scoped3A = tpu.sem_alloc : memref<!tpu.dma_semaphore, #tpu.memory_space<semaphore_mem>>
      %dma_start3A_6 = tpu.memref_slice %arg6[%arg0, %mul3A_2] : memref<2x50176xf32, #tpu.memory_space<hbm>> -> memref<1x3136xf32, #tpu.memory_space<hbm>>
      %dma_start3A_7 = tpu.memref_squeeze %dma_start3A_6 : memref<1x3136xf32, #tpu.memory_space<hbm>> -> memref<3136xf32, #tpu.memory_space<hbm>>
      %dma_start3A_8 = tpu.memref_slice %arg6[%arg0, %mul3A_2] : memref<2x50176xf32, #tpu.memory_space<hbm>> -> memref<1x3136xf32, #tpu.memory_space<hbm>>
      %dma_start3A_9 = tpu.memref_squeeze %dma_start3A_8 : memref<1x3136xf32, #tpu.memory_space<hbm>> -> memref<3136xf32, #tpu.memory_space<hbm>>
      tpu.enqueue_dma source(%arg11 : memref<3136xf32, #tpu.memory_space<vmem>>) target(%dma_start3A_9 : memref<3136xf32, #tpu.memory_space<hbm>>) target_semaphore(%run_scoped3A : memref<!tpu.dma_semaphore, #tpu.memory_space<semaphore_mem>>)
      %dma_wait3A_10 = tpu.memref_slice %arg6[%arg0, %mul3A_2] : memref<2x50176xf32, #tpu.memory_space<hbm>> -> memref<1x3136xf32, #tpu.memory_space<hbm>>
      %dma_wait3A_11 = tpu.memref_squeeze %dma_wait3A_10 : memref<1x3136xf32, #tpu.memory_space<hbm>> -> memref<3136xf32, #tpu.memory_space<hbm>>
      %dma_wait3A_12 = tpu.memref_slice %arg6[%arg0, %mul3A_2] : memref<2x50176xf32, #tpu.memory_space<hbm>> -> memref<1x3136xf32, #tpu.memory_space<hbm>>
      %dma_wait3A_13 = tpu.memref_squeeze %dma_wait3A_12 : memref<1x3136xf32, #tpu.memory_space<hbm>> -> memref<3136xf32, #tpu.memory_space<hbm>>
      tpu.wait_dma2 semaphore(%run_scoped3A : memref<!tpu.dma_semaphore, #tpu.memory_space<semaphore_mem>>) src(%arg11 : memref<3136xf32, #tpu.memory_space<vmem>>) dst(%dma_wait3A_13 : memref<3136xf32, #tpu.memory_space<hbm>>)
      tpu.yield
    }) : () -> ()
    return
  }
}

module attributes {stable_mosaic.version = 14 : i64} {
  func.func @_k1_body(%arg0: i32, %arg1: memref<1024x64xf32, #tpu.memory_space<vmem>>, %arg2: memref<64x2xf32, #tpu.memory_space<vmem>>, %arg3: memref<64x2xf32, #tpu.memory_space<vmem>>, %arg4: memref<2x1xf32, #tpu.memory_space<vmem>>, %arg5: memref<2x1024xf32, #tpu.memory_space<vmem>>, %arg6: memref<2x1024xf32, #tpu.memory_space<vmem>>) attributes {dimension_semantics = [#tpu.dimension_semantics<arbitrary>], iteration_bounds = array<i64: 49>, scalar_prefetch = 0 : i64, scratch_operands = 0 : i64, tpu.core_type = #tpu.core_type<tc>, window_params = [{transform_indices = @transform_0, window_bounds = array<i64: 1024, 64>}, {pipeline_mode = #tpu.pipeline_mode<synchronous>, transform_indices = @transform_1, window_bounds = array<i64: 64, 2>}, {pipeline_mode = #tpu.pipeline_mode<synchronous>, transform_indices = @transform_2, window_bounds = array<i64: 64, 2>}, {pipeline_mode = #tpu.pipeline_mode<synchronous>, transform_indices = @transform_3, window_bounds = array<i64: 2, 1>}, {transform_indices = @transform_4, window_bounds = array<i64: 2, 1024>}, {transform_indices = @transform_5, window_bounds = array<i64: 2, 1024>}]} {
    %get3A = arith.constant 0 : index
    %get3A_0 = arith.constant 0 : index
    %get3A_1 = vector.load %arg1[%get3A, %get3A_0] : memref<1024x64xf32, #tpu.memory_space<vmem>>, vector<1024x64xf32>
    %get3A_2 = arith.constant 0 : index
    %get3A_3 = arith.constant 0 : index
    %get3A_4 = vector.load %arg2[%get3A_2, %get3A_3] : memref<64x2xf32, #tpu.memory_space<vmem>>, vector<64x2xf32>
    %dot_general3A = arith.constant dense<0.000000e+00> : vector<2x1024xf32>
    %dot_general3A_5 = tpu.matmul %get3A_4, %get3A_1, %dot_general3A {dimension_numbers = #tpu.dot_dimension_numbers<[0], [1], [1], [0], [0, 1, 1, 0], [], []>, transpose_lhs_hint = false} : vector<64x2xf32>, vector<1024x64xf32>, vector<2x1024xf32> -> vector<2x1024xf32>
    %swap3A = arith.constant 0 : index
    %swap3A_6 = arith.constant 0 : index
    %swap3A_7 = vector.load %arg5[%swap3A, %swap3A_6] : memref<2x1024xf32, #tpu.memory_space<vmem>>, vector<2x1024xf32>
    tpu.vector_store %arg5[%swap3A, %swap3A_6], %dot_general3A_5 {strides = array<i32>} : memref<2x1024xf32, #tpu.memory_space<vmem>>, vector<2x1024xf32>,
    %get3A_8 = arith.constant 0 : index
    %get3A_9 = arith.constant 0 : index
    %get3A_10 = vector.load %arg3[%get3A_8, %get3A_9] : memref<64x2xf32, #tpu.memory_space<vmem>>, vector<64x2xf32>
    %dot_general3A_11 = arith.constant dense<0.000000e+00> : vector<2x1024xf32>
    %dot_general3A_12 = tpu.matmul %get3A_10, %get3A_1, %dot_general3A_11 {dimension_numbers = #tpu.dot_dimension_numbers<[0], [1], [1], [0], [0, 1, 1, 0], [], []>, transpose_lhs_hint = false} : vector<64x2xf32>, vector<1024x64xf32>, vector<2x1024xf32> -> vector<2x1024xf32>
    %get3A_13 = arith.constant 0 : index
    %get3A_14 = arith.constant 0 : index
    %get3A_15 = vector.load %arg4[%get3A_13, %get3A_14] : memref<2x1xf32, #tpu.memory_space<vmem>>, vector<2x1xf32>
    %add3A = vector.broadcast %get3A_15 : vector<2x1xf32> to vector<2x1024xf32>
    %add3A_16 = arith.addf %dot_general3A_12, %add3A : vector<2x1024xf32>
    %swap3A_17 = arith.constant 0 : index
    %swap3A_18 = arith.constant 0 : index
    %swap3A_19 = vector.load %arg6[%swap3A_17, %swap3A_18] : memref<2x1024xf32, #tpu.memory_space<vmem>>, vector<2x1024xf32>
    tpu.vector_store %arg6[%swap3A_17, %swap3A_18], %add3A_16 {strides = array<i32>} : memref<2x1024xf32, #tpu.memory_space<vmem>>, vector<2x1024xf32>,
    return
  }
  func.func @transform_0(%arg0: i32) -> (i32, i32) {
    %c0_i32 = arith.constant 0 : i32
    %c0_i32_0 = arith.constant 0 : i32
    return %arg0, %c0_i32 : i32, i32
  }
  func.func @transform_1(%arg0: i32) -> (i32, i32) {
    %c0_i32 = arith.constant 0 : i32
    %c0_i32_0 = arith.constant 0 : i32
    %c0_i32_1 = arith.constant 0 : i32
    return %c0_i32, %c0_i32_0 : i32, i32
  }
  func.func @transform_2(%arg0: i32) -> (i32, i32) {
    %c0_i32 = arith.constant 0 : i32
    %c0_i32_0 = arith.constant 0 : i32
    %c0_i32_1 = arith.constant 0 : i32
    return %c0_i32, %c0_i32_0 : i32, i32
  }
  func.func @transform_3(%arg0: i32) -> (i32, i32) {
    %c0_i32 = arith.constant 0 : i32
    %c0_i32_0 = arith.constant 0 : i32
    %c0_i32_1 = arith.constant 0 : i32
    return %c0_i32, %c0_i32_0 : i32, i32
  }
  func.func @transform_4(%arg0: i32) -> (i32, i32) {
    %c0_i32 = arith.constant 0 : i32
    %c0_i32_0 = arith.constant 0 : i32
    return %c0_i32, %arg0 : i32, i32
  }
  func.func @transform_5(%arg0: i32) -> (i32, i32) {
    %c0_i32 = arith.constant 0 : i32
    %c0_i32_0 = arith.constant 0 : i32
    return %c0_i32, %arg0 : i32, i32
  }
}

module attributes {stable_mosaic.version = 14 : i64} {
  func.func @_k3_body(%arg0: i32, %arg1: memref<2x1024xf32, #tpu.memory_space<vmem>>, %arg2: memref<2x1024xf32, #tpu.memory_space<vmem>>, %arg3: memref<2x1024xf32, #tpu.memory_space<vmem>>, %arg4: memref<2x1024xf32, #tpu.memory_space<vmem>>) attributes {dimension_semantics = [#tpu.dimension_semantics<arbitrary>], iteration_bounds = array<i64: 49>, scalar_prefetch = 0 : i64, scratch_operands = 0 : i64, tpu.core_type = #tpu.core_type<tc>, window_params = [{transform_indices = @transform_0, window_bounds = array<i64: 2, 1024>}, {transform_indices = @transform_1, window_bounds = array<i64: 2, 1024>}, {transform_indices = @transform_2, window_bounds = array<i64: 2, 1024>}, {transform_indices = @transform_3, window_bounds = array<i64: 2, 1024>}]} {
    %get3A = arith.constant 0 : index
    %get3A_0 = arith.constant 0 : index
    %get3A_1 = vector.load %arg1[%get3A, %get3A_0] : memref<2x1024xf32, #tpu.memory_space<vmem>>, vector<1x1024xf32>
    %get3A_2 = arith.constant 1 : index
    %get3A_3 = arith.constant 0 : index
    %get3A_4 = vector.load %arg1[%get3A_2, %get3A_3] : memref<2x1024xf32, #tpu.memory_space<vmem>>, vector<1x1024xf32>
    %add3A = arith.addf %get3A_1, %get3A_4 : vector<1x1024xf32>
    %get3A_5 = arith.constant 0 : index
    %get3A_6 = arith.constant 0 : index
    %get3A_7 = vector.load %arg3[%get3A_5, %get3A_6] : memref<2x1024xf32, #tpu.memory_space<vmem>>, vector<1x1024xf32>
    %add3A_8 = arith.addf %add3A, %get3A_7 : vector<1x1024xf32>
    %swap3A = arith.constant 0 : index
    %swap3A_9 = arith.constant 0 : index
    %swap3A_10 = vector.load %arg4[%swap3A, %swap3A_9] : memref<2x1024xf32, #tpu.memory_space<vmem>>, vector<1x1024xf32>
    tpu.vector_store %arg4[%swap3A, %swap3A_9], %add3A_8 {strides = array<i32>} : memref<2x1024xf32, #tpu.memory_space<vmem>>, vector<1x1024xf32>,
    %get3A_11 = arith.constant 0 : index
    %get3A_12 = arith.constant 0 : index
    %get3A_13 = vector.load %arg2[%get3A_11, %get3A_12] : memref<2x1024xf32, #tpu.memory_space<vmem>>, vector<1x1024xf32>
    %get3A_14 = arith.constant 1 : index
    %get3A_15 = arith.constant 0 : index
    %get3A_16 = vector.load %arg2[%get3A_14, %get3A_15] : memref<2x1024xf32, #tpu.memory_space<vmem>>, vector<1x1024xf32>
    %add3A_17 = arith.addf %get3A_13, %get3A_16 : vector<1x1024xf32>
    %get3A_18 = arith.constant 1 : index
    %get3A_19 = arith.constant 0 : index
    %get3A_20 = vector.load %arg3[%get3A_18, %get3A_19] : memref<2x1024xf32, #tpu.memory_space<vmem>>, vector<1x1024xf32>
    %add3A_21 = arith.addf %add3A_17, %get3A_20 : vector<1x1024xf32>
    %swap3A_22 = arith.constant 1 : index
    %swap3A_23 = arith.constant 0 : index
    %swap3A_24 = vector.load %arg4[%swap3A_22, %swap3A_23] : memref<2x1024xf32, #tpu.memory_space<vmem>>, vector<1x1024xf32>
    tpu.vector_store %arg4[%swap3A_22, %swap3A_23], %add3A_21 {strides = array<i32>} : memref<2x1024xf32, #tpu.memory_space<vmem>>, vector<1x1024xf32>,
    return
  }
  func.func @transform_0(%arg0: i32) -> (i32, i32) {
    %c0_i32 = arith.constant 0 : i32
    %c0_i32_0 = arith.constant 0 : i32
    return %c0_i32, %arg0 : i32, i32
  }
  func.func @transform_1(%arg0: i32) -> (i32, i32) {
    %c0_i32 = arith.constant 0 : i32
    %c0_i32_0 = arith.constant 0 : i32
    return %c0_i32, %arg0 : i32, i32
  }
  func.func @transform_2(%arg0: i32) -> (i32, i32) {
    %c0_i32 = arith.constant 0 : i32
    %c0_i32_0 = arith.constant 0 : i32
    return %c0_i32, %arg0 : i32, i32
  }
  func.func @transform_3(%arg0: i32) -> (i32, i32) {
    %c0_i32 = arith.constant 0 : i32
    %c0_i32_0 = arith.constant 0 : i32
    return %c0_i32, %arg0 : i32, i32
  }
}

module attributes {stable_mosaic.version = 14 : i64} {
  func.func @_k5_body(%arg0: i32, %arg1: memref<2x1024xf32, #tpu.memory_space<vmem>>, %arg2: memref<2x1024xf32, #tpu.memory_space<vmem>>, %arg3: memref<1x1024xf32, #tpu.memory_space<vmem>>) attributes {dimension_semantics = [#tpu.dimension_semantics<arbitrary>], iteration_bounds = array<i64: 49>, scalar_prefetch = 0 : i64, scratch_operands = 0 : i64, tpu.core_type = #tpu.core_type<tc>, window_params = [{transform_indices = @transform_0, window_bounds = array<i64: 2, 1024>}, {transform_indices = @transform_1, window_bounds = array<i64: 2, 1024>}, {transform_indices = @transform_2, window_bounds = array<i64: 1, 1024>}]} {
    %get3A = arith.constant 0 : index
    %get3A_0 = arith.constant 0 : index
    %get3A_1 = vector.load %arg1[%get3A, %get3A_0] : memref<2x1024xf32, #tpu.memory_space<vmem>>, vector<1x1024xf32>
    %get3A_2 = arith.constant 1 : index
    %get3A_3 = arith.constant 0 : index
    %get3A_4 = vector.load %arg1[%get3A_2, %get3A_3] : memref<2x1024xf32, #tpu.memory_space<vmem>>, vector<1x1024xf32>
    %add3A = arith.addf %get3A_1, %get3A_4 : vector<1x1024xf32>
    %get3A_5 = arith.constant 1 : index
    %get3A_6 = arith.constant 0 : index
    %get3A_7 = vector.load %arg2[%get3A_5, %get3A_6] : memref<2x1024xf32, #tpu.memory_space<vmem>>, vector<1x1024xf32>
    %add3A_8 = arith.addf %add3A, %get3A_7 : vector<1x1024xf32>
    %swap3A = arith.constant 0 : index
    %swap3A_9 = arith.constant 0 : index
    %swap3A_10 = vector.load %arg3[%swap3A, %swap3A_9] : memref<1x1024xf32, #tpu.memory_space<vmem>>, vector<1x1024xf32>
    tpu.vector_store %arg3[%swap3A, %swap3A_9], %add3A_8 {strides = array<i32>} : memref<1x1024xf32, #tpu.memory_space<vmem>>, vector<1x1024xf32>,
    return
  }
  func.func @transform_0(%arg0: i32) -> (i32, i32) {
    %c0_i32 = arith.constant 0 : i32
    %c0_i32_0 = arith.constant 0 : i32
    return %c0_i32, %arg0 : i32, i32
  }
  func.func @transform_1(%arg0: i32) -> (i32, i32) {
    %c0_i32 = arith.constant 0 : i32
    %c0_i32_0 = arith.constant 0 : i32
    return %c0_i32, %arg0 : i32, i32
  }
  func.func @transform_2(%arg0: i32) -> (i32, i32) {
    %c0_i32 = arith.constant 0 : i32
    %c0_i32_0 = arith.constant 0 : i32
    return %c0_i32, %arg0 : i32, i32
  }
}

</mosaic_0001>

<sc_bundles>
// kernel: kernel.10.cloned.1.call-start
scs
__scs_entry_jumppad:
0x0: {  	(pc) =	sbr.rel $0x88, $3  }
0x1: {  	(tag) =	ssettag $0x0;
	lr =	simm.s32 $0x1  }
0x2: {  	[smem:$0x3F99] =	sst lr;
	_ =	strace $0xD0000000  }
0x3: {  	_ = 	snop  }
0x4: {  	_ = 	snop  }
0x5: {  	_ = 	snop  }
0x6: {  	_ = 	snop  }
0x7: {  	_ = 	snop  }
__scs_overlays_trampoline_lowered:
0x8: {  	[smem:$0x3FA8] =	sst s0  }
0x9: {  	[smem:$0x3FA9] =	sst s1  }
0xa: {  	[smem:$0x3FAA] =	sst s2  }
0xb: {  	[smem:$0x3FAB] =	sst s3  }
0xc: {  	[smem:$0x3FAC] =	sst s4  }
0xd: {  	[smem:$0x3FAD] =	sst s5  }
0xe: {  	[smem:$0x3FAE] =	sst s6  }
0xf: {  	[smem:$0x3FAF] =	sst s7  }
0x10: {  	[smem:$0x3FB0] =	sst s8  }
0x11: {  	[smem:$0x3FB1] =	sst s9;
	s0 =	simm.s32 @!p0 $0x0  }
0x12: {  	s1 =	sld [smem:$0x3F97];
	s0 =	simm.s32 @p0 $0x1  }
0x13: {  	[smem:$0x3FB2] =	sst s0;
	s0 =	simm.s32 @!p1 $0x0  }
0x14: {  	s2 =	sld [smem:$0x3F96];
	s0 =	simm.s32 @p1 $0x1  }
0x15: {  	[smem:$0x3FB3] =	sst s0;
	s0 =	simm.s32 @!p2 $0x0  }
0x16: {  	s3 =	sld [smem:$0x3FDB];
	s0 =	simm.s32 @p2 $0x1  }
0x17: {  	s4 =	simm.s32 $0x1BF5;
	[smem:$0x3FB5] =	sst s0  }
0x18: {  	s0 =	sld [smem:$0x3F98];
	_ =	swait.ge [sflag:s4], $0x0  }
0x19: {  	s7 =	sld [smem:$0x3F99]  }
0x1a: {  	s8 =	sadd.s32 $0xFFFFE003, lr  }
0x1b: {  	s9 =	sadd.s32 $0xFFFFFEF7, lr;
	s5 =	simm.s32 $0xFFFFFFFF;
	p2 =	slt.u32 s8, $0xFFFFF086  }
0x1c: {  	p1 =	slt.u32 s9, $0xF7A;
	s5 =	simm.s32 @!p2 $0x0  }
0x1d: {  	s5 =	simm.s32 @p1 $0x1;
	p0 =	seq.s32 s7, s2  }
0x1e: {  	s7 =	smul.u32 @!p0 $0xF7A, s2;
	p2 =	seq.s32 @!p0 s5, $0x0  }
0x1f: {  	s9 =	smul.u32 $0xF7A, s1;
	s8 =	simm.s32 @!p0 $0x1BF5;
	p2 =	por !p2, p0  }
0x20: {  	[sflag:s8] =	ssyncset.s32 @!p0 $0xFFFFF086;
	s6 =	sadd.s32 @!p0 s3, s7;
	s7 =	simm.s32 @!p0 $0x108  }
0x21: {  	s3 =	sadd.s32 s3, s9;
	s6 =	sadd.s32 @!p0 $0x88, s6;
	s7 =	simm.s32 @p2 $0x1082  }
0x22: {  	[simem:s7], [sflag:s8] =	dma.local @!p0 [hbm:s6], $0xF7A  }
0x23: {  	s9 =	sor.u32 $0xD0000000, s2;
	s6 =	simm.s32 $0x108;
	_ =	swait.ge @!p0 [sflag:s8], $0x0  }
0x24: {  	s3 =	sadd.s32 $0x88, s3;
	s6 =	simm.s32 @!p1 $0x1082;
	[sflag:s4] =	ssyncset.s32 $0xFFFFF086  }
0x25: {  	[simem:s6], [sflag:s4] =	dma.local [hbm:s3], $0xF7A  }
0x26: {  	[smem:$0x3F99] =	sst s1;
	(tag) =	ssettag s2;
	_ =	strace s9  }
0x27: {  	s1 =	sld [smem:$0x3FA9]  }
0x28: {  	s2 =	sld [smem:$0x3FAA]  }
0x29: {  	s4 =	sld [smem:$0x3FAC]  }
0x2a: {  	p0 =	seq.s32 s5, $0x0;
	s5 =	sld [smem:$0x3FAD]  }
0x2b: {  	s6 =	sld [smem:$0x3FAE]  }
0x2c: {  	s7 =	sld [smem:$0x3FAF]  }
0x2d: {  	s3 =	simm.s32 $0x108;
	s8 =	sld [smem:$0x3FB0]  }
0x2e: {  	s3 =	simm.s32 @!p0 $0x1082;
	s9 =	sld [smem:$0x3FB1]  }
0x2f: {  	lr =	sadd.s32 s0, s3;
	s0 =	sld [smem:$0x3FA8]  }
0x30: {  	s3 =	sld [smem:$0x3FAB]  }
0x31: {  	[smem:$0x3FB4] =	sst s10  }
0x32: {  	s10 =	sld [smem:$0x3FB2];
	_ =	sdelay $0x3  }
0x33: {  	p0 =	seq.s32 s10, $0x1;
	s10 =	sld [smem:$0x3FB4];
	_ =	sdelay $0x3  }
0x34: {  	[smem:$0x3FB4] =	sst s10  }
0x35: {  	s10 =	sld [smem:$0x3FB3];
	_ =	sdelay $0x3  }
0x36: {  	p1 =	seq.s32 s10, $0x1;
	s10 =	sld [smem:$0x3FB4];
	_ =	sdelay $0x3  }
0x37: {  	[smem:$0x3FB4] =	sst s10  }
0x38: {  	s10 =	sld [smem:$0x3FB5]  }
0x39: {  	_ = 	snop;
	(pc) =	sbr.ind lr, $3  }
0x3a: {  	_ = 	snop  }
0x3b: {  	_ = 	snop  }
0x3c: {  	p2 =	seq.s32 s10, $0x1;
	s10 =	sld [smem:$0x3FB4]  }
0x3d: {  	_ =	shalt  }
0x3e: {  	_ =	shalt  }
0x3f: {  	_ =	shalt  }
0x40: {  	_ =	shalt  }
0x41: {  	_ =	shalt  }
0x42: {  	_ =	shalt  }
0x43: {  	_ =	shalt  }
0x44: {  	_ =	shalt  }
0x45: {  	_ =	shalt  }
0x46: {  	_ =	shalt  }
0x47: {  	_ =	shalt  }
0x48: {  	_ =	shalt  }
0x49: {  	_ =	shalt  }
0x4a: {  	_ =	shalt  }
0x4b: {  	_ =	shalt  }
0x4c: {  	_ =	shalt  }
0x4d: {  	_ =	shalt  }
0x4e: {  	_ =	shalt  }
0x4f: {  	_ =	shalt  }
0x50: {  	_ =	shalt  }
0x51: {  	_ =	shalt  }
0x52: {  	_ =	shalt  }
0x53: {  	_ =	shalt  }
0x54: {  	_ =	shalt  }
0x55: {  	_ =	shalt  }
0x56: {  	_ =	shalt  }
0x57: {  	_ =	shalt  }
0x58: {  	_ =	shalt  }
0x59: {  	_ =	shalt  }
0x5a: {  	_ =	shalt  }
0x5b: {  	_ =	shalt  }
0x5c: {  	_ =	shalt  }
0x5d: {  	_ =	shalt  }
0x5e: {  	_ =	shalt  }
0x5f: {  	_ =	shalt  }
0x60: {  	_ =	shalt  }
0x61: {  	_ =	shalt  }
0x62: {  	_ =	shalt  }
0x63: {  	_ =	shalt  }
0x64: {  	_ =	shalt  }
0x65: {  	_ =	shalt  }
0x66: {  	_ =	shalt  }
0x67: {  	_ =	shalt  }
0x68: {  	_ =	shalt  }
0x69: {  	_ =	shalt  }
0x6a: {  	_ =	shalt  }
0x6b: {  	_ =	shalt  }
0x6c: {  	_ =	shalt  }
0x6d: {  	_ =	shalt  }
0x6e: {  	_ =	shalt  }
0x6f: {  	_ =	shalt  }
0x70: {  	_ =	shalt  }
0x71: {  	_ =	shalt  }
0x72: {  	_ =	shalt  }
0x73: {  	_ =	shalt  }
0x74: {  	_ =	shalt  }
0x75: {  	_ =	shalt  }
0x76: {  	_ =	shalt  }
0x77: {  	_ =	shalt  }
0x78: {  	_ =	shalt  }
0x79: {  	_ =	shalt  }
0x7a: {  	_ =	shalt  }
0x7b: {  	_ =	shalt  }
0x7c: {  	_ =	shalt  }
0x7d: {  	_ =	shalt  }
0x7e: {  	_ =	shalt  }
0x7f: {  	_ =	shalt  }
0x80: {  	_ =	shalt  }
0x81: {  	_ =	shalt  }
0x82: {  	_ =	shalt  }
0x83: {  	_ =	shalt  }
0x84: {  	_ =	shalt  }
0x85: {  	_ =	shalt  }
0x86: {  	_ =	shalt  }
0x87: {  	_ =	shalt  }
.Lfunc_end0:
.L_simem_size_0:
called_computation.1_lowered:
.L_overlay_start_0:
0x88: {  	s2 =	sld [smem:$0x3FD9]  }
0x89: {  	s3 =	sld [smem:$0x3FFE];
	_ =	sdelay $0x1  }
0x8a: {  	s1 =	srdreg.scid  }
0x8b: {  	s0 =	sand.u32 $0x1, s1  }
0x8c: {  	s17 =	sshll.u32 s0, $0xA;
	s2 =	sadd.s32 s3, s2  }
0x8d: {  	s2 =	sadd.s32 s2, s17  }
0x8e: {  	[smem:$0x3FC0] =	sst s2  }
0x8f: {  	_ = 	snop  }
0x90: {  	s2 =	sld [smem:$0x3FD0];
	(tm) =	ssettm $0x1  }
0x91: {  	s18 =	sld [smem:$0x3FFB];
	_ =	sdelay $0x3  }
0x92: {  	_ =	strace s18  }
0x93: {  	s3 =	sld [smem:$0x3FFC];
	_ =	sdelay $0x3  }
0x94: {  	_ =	strace s3  }
0x95: {  	s3 =	sld [smem:$0x3FFD];
	_ =	sdelay $0x3  }
0x96: {  	_ =	strace s3  }
0x97: {  	_ =	strace $0x8FFFFFFF  }
0x98: {  	s19 =	sld [smem:$0x3FDB];
	_ =	sdelay $0x1  }
0x99: {  	s4 =	simm.s32 $_scs_section_size  }
0x9a: {  	s5 =	simm.s32 $_size__tile_overlayer_lowered;
	s6 =	simm.s32 $_tile_overlayer_lowered  }
0x9b: {  	s22 =	simm.s32 $0x1BFF;
	s21 =	sshll.u32 s6, $0x1;
	s3 =	sadd.s32 s4, s19  }
0x9c: {  	s7 =	simm.s32 $0x0;
	s20 =	sshll.u32 s5, $0x1;
	s5 =	sadd.s32 s21, s3  }
0x9d: {  	[timem:s7], [sflag:s22] =	dma.local [hbm:s5], s20  }
0x9e: {  	_ =	swait.ge [sflag:s22], s20  }
0x9f: {  	s4 =	ssub.s32 $0x0, s20;
	[sflag:s22] =	ssyncset.done $0x0  }
0xa0: {  	[sflag:s22] =	ssyncadd.s32 s4;
	_ =	sdelay $0x1  }
0xa1: {  	s23 =	simm.s32 $0x1B8B  }
0xa2: {  	_ =	swait.ge [sflag:s23], $0x1  }
0xa3: {  	[sflag:s23] =	ssyncset.done $0x0  }
0xa4: {  	s25 =	simm.s32 $0x1B8E;
	s24 =	sld [smem:$0x3FFE];
	[sflag:s23] =	ssyncadd.s32 $0xFFFFFFFF  }
0xa5: {  	s26 =	simm.s32 $execute0_lowered;
	[smem:$0x3FD2] =	sst s25  }
0xa6: {  	s5 =	sshll.u32 s26, $0x1;
	_ =	strace $0x80000049;
	[dreg:$0x1] =	wrdreg $0xFFFFFFFF  }
0xa7: {  	s28 =	simm.s32 $_size_execute0_lowered;
	s3 =	sadd.s32 s3, s5;
	[dreg:$0x0] =	wrdreg $0x0  }
0xa8: {  	s5 =	sshll.u32 s28, $0x1;
	[dreg:$0x2] =	wrdreg s3  }
0xa9: {  	[dreg:$0x3] =	wrdreg s5  }
0xaa: {  	[dreg:$0x4] =	wrdreg $0xC0  }
0xab: {  	_ =	task [dreg:s7], $0x5FFFF  }
0xac: {  	[dreg:$0x1] =	wrdreg $0xFFFFFFFF  }
0xad: {  	[dreg:$0x0] =	wrdreg $0x60  }
0xae: {  	[dreg:$0x2] =	wrdreg s24  }
0xaf: {  	[dreg:$0x3] =	wrdreg s2  }
0xb0: {  	[dreg:$0x4] =	wrdreg $0x0  }
0xb1: {  	[dreg:$0x5] =	wrdreg $0x9  }
0xb2: {  	_ =	task.clear_ibuf [dreg:s7], $0x6FFFF;
	_ =	strace $0x90000049  }
0xb3: {  	s29 =	simm.s32 $0x9;
	_ =	strace $0x8000004B  }
0xb4: {  	_ =	swait.ge [sflag:s29], $0x1  }
0xb5: {  	[sflag:s29] =	ssyncadd.s32 $0xFFFFFFFF  }
0xb6: {  	_ =	strace $0x9000004B  }
0xb7: {  	_ =	sfence  }
0xb8: {  	s30 =	sld [smem:$0x0];
	_ =	sdelay $0x2  }
0xb9: {  	s31 =	sshll.u32 s1, $0xD;
	s1 =	sshrl.u32 s1, $0x2  }
0xba: {  	s3 =	sand.u32 $0x4000, s31;
	s1 =	sadd.s32 s1, s30  }
0xbb: {  	s0 =	sor.u32 s3, s0;
	s1 =	sshll.u32 s1, $0x11  }
0xbc: {  	s0 =	sor.u32 s1, s0  }
0xbd: {  	s0 =	sadd.s32 $0x8F2B, s0  }
0xbe: {  	[sflag:s0] =	ssyncadd.remote.s32 $0x1  }
0xbf: {  	_ =	sfence.sel $0xFFFF  }
0xc0: {  	[dreg:$0x0] =	wrdreg $0xFFFFFFFF;
	(pc) =	sbr.abs _section_cstart, $3  }
0xc1: {  	[dreg:$0x1] =	wrdreg $0xFFFFFFFF  }
0xc2: {  	_ =	task.clear_ibuf [dreg:s7], $0x2FFFF;
	_ =	strace $0x9FFFFFFF  }
0xc3: {  	(tm) =	ssettm $0x7FFFFFFF  }
tec
execute0_lowered:
.L_overlay_start_1:
0x0: {  	(tag) =	ssettag $0x1  }
0x1: {  	s16 =	rddreg [dreg:$0x0]  }
0x2: {  	s1 =	rddreg [dreg:$0x1]  }
0x3: {  	s2 =	rddreg [dreg:$0x2]  }
0x4: {  	s0 =	rddreg [dreg:$0x3];
	s4 =	simm.s32 $0x0;
	s5 =	srdreg.scid  }
0x5: {  	s3 =	stileid.u32;
	s6 =	simm.s32 $0x13240;
	[smem:$0x7FF] =	sst s4  }
0x6: {  	s17 =	sand.u32 $0x1, s5;
	s5 =	simm.s32 $0x2;
	_ =	strace $0x8000004A  }
0x7: {  	[tilespmem:s6], [sflag:$0x2] =	stream.linear.gather [hbm4b:s1+s4], $0xC40, $0x38;
	[tilespmem:$0x13E80] =	vst v63  }
0x8: {  	s18 =	smul.u32 $0xC40, s3;
	s7 =	sshll.u32 s17, $0x4;
	_ =	swait.ge [sflag:s5], $0xC40  }
0x9: {  	s7 =	sor.u32 s3, s7;
	[sflag:s5] =	ssyncset.done $0x0  }
0xa: {  	s8 =	smul.u32 $0xC40, s7;
	s7 =	sadd.s32 s18, s2;
	[sflag:s5] =	ssyncadd.s32 $0xFFFFF3C0  }
0xb: {  	[spmem:s7] =	stream.linear.scatter [tilespmem:s6], [sflag:$0x2], $0xC40, $0x38;
	[tilespmem:$0x13E80] =	vst v63  }
0xc: {  	_ =	swait.ge [sflag:s5], $0xC40  }
0xd: {  	s10 =	sadd.s32 s8, s16;
	[sflag:s5] =	ssyncset.done $0x0  }
0xe: {  	s9 =	simm.s32 $0xC40;
	s8 =	sadd.s32 $0x1C600, s10;
	[sflag:s5] =	ssyncadd.s32 $0xFFFFF3C0  }
0xf: {  	[tilespmem:s9], [sflag:$0x2] =	stream.linear.gather [hbm4b:s8+s4], $0x6200, $0x38;
	[tilespmem:$0x13E80] =	vst v63  }
0x10: {  	_ =	swait.ge [sflag:s5], $0x6200  }
0x11: {  	[sflag:s5] =	ssyncset.done $0x0  }
0x12: {  	s11 =	simm.s32 $0x6E40;
	s10 =	sadd.s32 $0x3E00, s10;
	[sflag:s5] =	ssyncadd.s32 $0xFFFF9E00  }
0x13: {  	[tilespmem:s11], [sflag:$0x2] =	stream.linear.gather [hbm4b:s10+s4], $0x6200, $0x38;
	[tilespmem:$0x13E80] =	vst v63  }
0x14: {  	_ =	swait.ge [sflag:s5], $0x6200  }
0x15: {  	[sflag:s5] =	ssyncset.done $0x0  }
0x16: {  	s13 =	simm.s32 $0x6200;
	s14 =	simm.s32 $0xD040;
	[sflag:s5] =	ssyncadd.s32 $0xFFFF9E00  }
0x17: {  	s15 =	simm.s32 $0x1;
	s12 =	sadd.s32 $0xA00, s16;
	[bflag:$0x0] =	sbarrier.arrive $0xFFFF  }
0x18: {  	[tilespmem:s14], [sflag:$0x1] =	stream.indirect.gather [hbm4b:s12+s13], $0x1, s9, s13, $0xb8;
	[tilespmem:$0x13E80] =	vst v63  }
0x19: {  	_ =	swait.ge [sflag:s15], $0x6200  }
0x1a: {  	[sflag:s15] =	ssyncset.done $0x0  }
0x1b: {  	[sflag:s15] =	ssyncadd.s32 $0xFFFF9E00  }
0x1c: {  	[spmem:s2] =	stream.indirect.scatter.add.f32 [tilespmem:s14], [sflag:$0x2], $0x1, s11, s13, $0xb8;
	[tilespmem:$0x13E80] =	vst v63  }
0x1d: {  	s19 =	smul.u32 $0xC400, s17;
	s17 =	ssub.s32 $0x2, s17;
	_ =	swait.ge [sflag:s5], $0x6200  }
0x1e: {  	s31 =	sshrl.u32 s17, $0x1;
	[sflag:s5] =	ssyncset.done $0x0  }
0x1f: {  	s17 =	ssub.s32 s17, s31;
	[sflag:s5] =	ssyncadd.s32 $0xFFFF9E00  }
0x20: {  	s18 =	sadd.s32 s18, s19;
	s17 =	smax.u32 s17, $0x1;
	[bflag:$0x0] =	sbarrier.arrive $0xFFFF  }
0x21: {  	[tilespmem:s6], [sflag:$0x2] =	stream.linear.gather [spmem:s7], $0xC40, $0x38;
	[tilespmem:$0x13E80] =	vst v63  }
0x22: {  	s18 =	sshrl.u32 s18, $0x3;
	p0 =	sne.s32 s17, $0x1;
	_ =	swait.ge [sflag:s5], $0xC40  }
.Ltmp0:
0x23: {  	s16 =	sadd.s32 s18, s16;
	[sflag:s5] =	ssyncset.done $0x0;
	(pc) =	sbr.rel @!p0 .LBB2_2-.Ltmp0, $4  }
0x24: {  	s16 =	sadd.s32 $0x34E00, s16;
	[sflag:s5] =	ssyncadd.s32 $0xFFFFF3C0  }
0x25: {  	[hbm4b:s16+s4] =	stream.linear.scatter [tilespmem:s6], [sflag:$0x2], $0xC40, $0x38;
	[tilespmem:$0x13E80] =	vst v63  }
0x26: {  	_ =	swait.ge [sflag:s5], $0xC40  }
0x27: {  	s17 =	sadd.s32 $0xFFFFFFFF, s17;
	[sflag:s5] =	ssyncset.done $0x0  }
.LBB2_1:
0x28: {  	p0 =	sne.s32 s17, $0x1;
	s17 =	sadd.s32 $0xFFFFFFFF, s17;
	[sflag:s5] =	ssyncadd.s32 $0xFFFFF3C0  }
0x29: {  	[tilespmem:s6], [sflag:$0x2] =	stream.linear.gather [hbm4b:s1+s4], $0xC40, $0x38;
	[tilespmem:$0x13E80] =	vst v63  }
0x2a: {  	_ =	swait.ge [sflag:s5], $0xC40  }
0x2b: {  	[sflag:s5] =	ssyncset.done $0x0  }
0x2c: {  	[sflag:s5] =	ssyncadd.s32 $0xFFFFF3C0  }
0x2d: {  	[spmem:s7] =	stream.linear.scatter [tilespmem:s6], [sflag:$0x2], $0xC40, $0x38;
	[tilespmem:$0x13E80] =	vst v63  }
0x2e: {  	_ =	swait.ge [sflag:s5], $0xC40  }
0x2f: {  	[sflag:s5] =	ssyncset.done $0x0  }
0x30: {  	[sflag:s5] =	ssyncadd.s32 $0xFFFFF3C0  }
0x31: {  	[tilespmem:s9], [sflag:$0x2] =	stream.linear.gather [hbm4b:s8+s4], $0x6200, $0x38;
	[tilespmem:$0x13E80] =	vst v63  }
0x32: {  	_ =	swait.ge [sflag:s5], $0x6200  }
0x33: {  	[sflag:s5] =	ssyncset.done $0x0  }
0x34: {  	[sflag:s5] =	ssyncadd.s32 $0xFFFF9E00  }
0x35: {  	[tilespmem:s11], [sflag:$0x2] =	stream.linear.gather [hbm4b:s10+s4], $0x6200, $0x38;
	[tilespmem:$0x13E80] =	vst v63  }
0x36: {  	_ =	swait.ge [sflag:s5], $0x6200  }
0x37: {  	[sflag:s5] =	ssyncset.done $0x0  }
0x38: {  	[sflag:s5] =	ssyncadd.s32 $0xFFFF9E00  }
0x39: {  	[bflag:$0x0] =	sbarrier.arrive $0xFFFF  }
0x3a: {  	[tilespmem:s14], [sflag:$0x1] =	stream.indirect.gather [hbm4b:s12+s13], $0x1, s9, s13, $0xb8;
	[tilespmem:$0x13E80] =	vst v63  }
0x3b: {  	_ =	swait.ge [sflag:s15], $0x6200  }
0x3c: {  	[sflag:s15] =	ssyncset.done $0x0  }
0x3d: {  	[sflag:s15] =	ssyncadd.s32 $0xFFFF9E00  }
0x3e: {  	[spmem:s2] =	stream.indirect.scatter.add.f32 [tilespmem:s14], [sflag:$0x2], $0x1, s11, s13, $0xb8;
	[tilespmem:$0x13E80] =	vst v63  }
0x3f: {  	_ =	swait.ge [sflag:s5], $0x6200  }
0x40: {  	[sflag:s5] =	ssyncset.done $0x0  }
0x41: {  	[sflag:s5] =	ssyncadd.s32 $0xFFFF9E00  }
0x42: {  	[bflag:$0x0] =	sbarrier.arrive $0xFFFF  }
0x43: {  	[tilespmem:s6], [sflag:$0x2] =	stream.linear.gather [spmem:s7], $0xC40, $0x38;
	[tilespmem:$0x13E80] =	vst v63  }
0x44: {  	_ =	swait.ge [sflag:s5], $0xC40  }
.Ltmp1:
0x45: {  	[sflag:s5] =	ssyncset.done $0x0;
	(pc) =	sbr.rel @p0 .LBB2_1-.Ltmp1, $4  }
0x46: {  	[sflag:s5] =	ssyncadd.s32 $0xFFFFF3C0  }
0x47: {  	[hbm4b:s16+s4] =	stream.linear.scatter [tilespmem:s6], [sflag:$0x2], $0xC40, $0x38;
	[tilespmem:$0x13E80] =	vst v63  }
0x48: {  	_ =	swait.ge [sflag:s5], $0xC40  }
0x49: {  	[sflag:s5] =	ssyncset.done $0x0  }
.LBB2_2:
0x4a: {  	[sflag:s5] =	ssyncadd.s32 $0xFFFFF3C0  }
0x4b: {  	_ =	sfence.sel $0x180000  }
0x4c: {  	[bflag:$0x0] =	sbarrier.arrive $0xFFFF  }
0x4d: {  	p0 =	sne.s32 s3, $0x0;
	_ =	strace $0x9000004A  }
0x4e: {  	s0 =	sadd.s32 @!p0 $0x100000, s0;
	[bflag:$0x2] =	sbarrier.arrive $0xFFFF  }
0x4f: {  	[sflag:s0] =	ssyncadd.tile.s32 @!p0 $0x1;
	_ =	shalt  }
.Lfunc_end2:
_tile_overlayer_lowered:
.L_overlay_start_2:
0x50: {  	(tag) =	ssettag $0x2  }
0x51: {  	s0 =	rddreg [dreg:$0x0];
	s2 =	stileid.u32  }
0x52: {  	s1 =	rddreg [dreg:$0x1];
	p0 =	sne.s32 s2, $0x0  }
0x53: {  	s3 =	rddreg [dreg:$0x2];
	[bflag:$0x3] =	sbarrier.arrive $0xFFFF;
	s2 =	simm.s32 @!p0 $0x1C02  }
0x54: {  	[timem:s3], [sflag:s2] =	dma.local @!p0 [hbm:s0], s1  }
0x55: {  	s0 =	simm.s32 @!p0 $0x2  }
0x56: {  	_ =	swait.ge @!p0 [sflag:s0], s1  }
0x57: {  	s1 =	ssub.s32 @!p0 $0x0, s1;
	[sflag:s0] =	ssyncset.done @!p0 $0x0  }
0x58: {  	[sflag:s0] =	ssyncadd.s32 @!p0 s1  }
0x59: {  	[bflag:$0x3] =	sbarrier.arrive $0xFFFF  }
0x5a: {  	_ =	shalt  }

// kernel: kernel.7.cloned.1.call-start
scs
__scs_entry_jumppad:
0x0: {  	(pc) =	sbr.rel $0x88, $3  }
0x1: {  	(tag) =	ssettag $0x0;
	lr =	simm.s32 $0x1  }
0x2: {  	[smem:$0x3F99] =	sst lr;
	_ =	strace $0xD0000000  }
0x3: {  	_ = 	snop  }
0x4: {  	_ = 	snop  }
0x5: {  	_ = 	snop  }
0x6: {  	_ = 	snop  }
0x7: {  	_ = 	snop  }
__scs_overlays_trampoline_lowered:
0x8: {  	[smem:$0x3FA8] =	sst s0  }
0x9: {  	[smem:$0x3FA9] =	sst s1  }
0xa: {  	[smem:$0x3FAA] =	sst s2  }
0xb: {  	[smem:$0x3FAB] =	sst s3  }
0xc: {  	[smem:$0x3FAC] =	sst s4  }
0xd: {  	[smem:$0x3FAD] =	sst s5  }
0xe: {  	[smem:$0x3FAE] =	sst s6  }
0xf: {  	[smem:$0x3FAF] =	sst s7  }
0x10: {  	[smem:$0x3FB0] =	sst s8  }
0x11: {  	[smem:$0x3FB1] =	sst s9;
	s0 =	simm.s32 @!p0 $0x0  }
0x12: {  	s1 =	sld [smem:$0x3F97];
	s0 =	simm.s32 @p0 $0x1  }
0x13: {  	[smem:$0x3FB2] =	sst s0;
	s0 =	simm.s32 @!p1 $0x0  }
0x14: {  	s2 =	sld [smem:$0x3F96];
	s0 =	simm.s32 @p1 $0x1  }
0x15: {  	[smem:$0x3FB3] =	sst s0;
	s0 =	simm.s32 @!p2 $0x0  }
0x16: {  	s3 =	sld [smem:$0x3FDB];
	s0 =	simm.s32 @p2 $0x1  }
0x17: {  	s4 =	simm.s32 $0x1BF5;
	[smem:$0x3FB5] =	sst s0  }
0x18: {  	s0 =	sld [smem:$0x3F98];
	_ =	swait.ge [sflag:s4], $0x0  }
0x19: {  	s7 =	sld [smem:$0x3F99]  }
0x1a: {  	s8 =	sadd.s32 $0xFFFFE003, lr  }
0x1b: {  	s9 =	sadd.s32 $0xFFFFFEF7, lr;
	s5 =	simm.s32 $0xFFFFFFFF;
	p2 =	slt.u32 s8, $0xFFFFF086  }
0x1c: {  	p1 =	slt.u32 s9, $0xF7A;
	s5 =	simm.s32 @!p2 $0x0  }
0x1d: {  	s5 =	simm.s32 @p1 $0x1;
	p0 =	seq.s32 s7, s2  }
0x1e: {  	s7 =	smul.u32 @!p0 $0xF7A, s2;
	p2 =	seq.s32 @!p0 s5, $0x0  }
0x1f: {  	s9 =	smul.u32 $0xF7A, s1;
	s8 =	simm.s32 @!p0 $0x1BF5;
	p2 =	por !p2, p0  }
0x20: {  	[sflag:s8] =	ssyncset.s32 @!p0 $0xFFFFF086;
	s6 =	sadd.s32 @!p0 s3, s7;
	s7 =	simm.s32 @!p0 $0x108  }
0x21: {  	s3 =	sadd.s32 s3, s9;
	s6 =	sadd.s32 @!p0 $0x88, s6;
	s7 =	simm.s32 @p2 $0x1082  }
0x22: {  	[simem:s7], [sflag:s8] =	dma.local @!p0 [hbm:s6], $0xF7A  }
0x23: {  	s9 =	sor.u32 $0xD0000000, s2;
	s6 =	simm.s32 $0x108;
	_ =	swait.ge @!p0 [sflag:s8], $0x0  }
0x24: {  	s3 =	sadd.s32 $0x88, s3;
	s6 =	simm.s32 @!p1 $0x1082;
	[sflag:s4] =	ssyncset.s32 $0xFFFFF086  }
0x25: {  	[simem:s6], [sflag:s4] =	dma.local [hbm:s3], $0xF7A  }
0x26: {  	[smem:$0x3F99] =	sst s1;
	(tag) =	ssettag s2;
	_ =	strace s9  }
0x27: {  	s1 =	sld [smem:$0x3FA9]  }
0x28: {  	s2 =	sld [smem:$0x3FAA]  }
0x29: {  	s4 =	sld [smem:$0x3FAC]  }
0x2a: {  	p0 =	seq.s32 s5, $0x0;
	s5 =	sld [smem:$0x3FAD]  }
0x2b: {  	s6 =	sld [smem:$0x3FAE]  }
0x2c: {  	s7 =	sld [smem:$0x3FAF]  }
0x2d: {  	s3 =	simm.s32 $0x108;
	s8 =	sld [smem:$0x3FB0]  }
0x2e: {  	s3 =	simm.s32 @!p0 $0x1082;
	s9 =	sld [smem:$0x3FB1]  }
0x2f: {  	lr =	sadd.s32 s0, s3;
	s0 =	sld [smem:$0x3FA8]  }
0x30: {  	s3 =	sld [smem:$0x3FAB]  }
0x31: {  	[smem:$0x3FB4] =	sst s10  }
0x32: {  	s10 =	sld [smem:$0x3FB2];
	_ =	sdelay $0x3  }
0x33: {  	p0 =	seq.s32 s10, $0x1;
	s10 =	sld [smem:$0x3FB4];
	_ =	sdelay $0x3  }
0x34: {  	[smem:$0x3FB4] =	sst s10  }
0x35: {  	s10 =	sld [smem:$0x3FB3];
	_ =	sdelay $0x3  }
0x36: {  	p1 =	seq.s32 s10, $0x1;
	s10 =	sld [smem:$0x3FB4];
	_ =	sdelay $0x3  }
0x37: {  	[smem:$0x3FB4] =	sst s10  }
0x38: {  	s10 =	sld [smem:$0x3FB5]  }
0x39: {  	_ = 	snop;
	(pc) =	sbr.ind lr, $3  }
0x3a: {  	_ = 	snop  }
0x3b: {  	_ = 	snop  }
0x3c: {  	p2 =	seq.s32 s10, $0x1;
	s10 =	sld [smem:$0x3FB4]  }
0x3d: {  	_ =	shalt  }
0x3e: {  	_ =	shalt  }
0x3f: {  	_ =	shalt  }
0x40: {  	_ =	shalt  }
0x41: {  	_ =	shalt  }
0x42: {  	_ =	shalt  }
0x43: {  	_ =	shalt  }
0x44: {  	_ =	shalt  }
0x45: {  	_ =	shalt  }
0x46: {  	_ =	shalt  }
0x47: {  	_ =	shalt  }
0x48: {  	_ =	shalt  }
0x49: {  	_ =	shalt  }
0x4a: {  	_ =	shalt  }
0x4b: {  	_ =	shalt  }
0x4c: {  	_ =	shalt  }
0x4d: {  	_ =	shalt  }
0x4e: {  	_ =	shalt  }
0x4f: {  	_ =	shalt  }
0x50: {  	_ =	shalt  }
0x51: {  	_ =	shalt  }
0x52: {  	_ =	shalt  }
0x53: {  	_ =	shalt  }
0x54: {  	_ =	shalt  }
0x55: {  	_ =	shalt  }
0x56: {  	_ =	shalt  }
0x57: {  	_ =	shalt  }
0x58: {  	_ =	shalt  }
0x59: {  	_ =	shalt  }
0x5a: {  	_ =	shalt  }
0x5b: {  	_ =	shalt  }
0x5c: {  	_ =	shalt  }
0x5d: {  	_ =	shalt  }
0x5e: {  	_ =	shalt  }
0x5f: {  	_ =	shalt  }
0x60: {  	_ =	shalt  }
0x61: {  	_ =	shalt  }
0x62: {  	_ =	shalt  }
0x63: {  	_ =	shalt  }
0x64: {  	_ =	shalt  }
0x65: {  	_ =	shalt  }
0x66: {  	_ =	shalt  }
0x67: {  	_ =	shalt  }
0x68: {  	_ =	shalt  }
0x69: {  	_ =	shalt  }
0x6a: {  	_ =	shalt  }
0x6b: {  	_ =	shalt  }
0x6c: {  	_ =	shalt  }
0x6d: {  	_ =	shalt  }
0x6e: {  	_ =	shalt  }
0x6f: {  	_ =	shalt  }
0x70: {  	_ =	shalt  }
0x71: {  	_ =	shalt  }
0x72: {  	_ =	shalt  }
0x73: {  	_ =	shalt  }
0x74: {  	_ =	shalt  }
0x75: {  	_ =	shalt  }
0x76: {  	_ =	shalt  }
0x77: {  	_ =	shalt  }
0x78: {  	_ =	shalt  }
0x79: {  	_ =	shalt  }
0x7a: {  	_ =	shalt  }
0x7b: {  	_ =	shalt  }
0x7c: {  	_ =	shalt  }
0x7d: {  	_ =	shalt  }
0x7e: {  	_ =	shalt  }
0x7f: {  	_ =	shalt  }
0x80: {  	_ =	shalt  }
0x81: {  	_ =	shalt  }
0x82: {  	_ =	shalt  }
0x83: {  	_ =	shalt  }
0x84: {  	_ =	shalt  }
0x85: {  	_ =	shalt  }
0x86: {  	_ =	shalt  }
0x87: {  	_ =	shalt  }
.Lfunc_end0:
.L_simem_size_0:
called_computation_lowered:
.L_overlay_start_0:
0x88: {  	s2 =	sld [smem:$0x3FD9]  }
0x89: {  	s3 =	sld [smem:$0x3FFE];
	_ =	sdelay $0x1  }
0x8a: {  	s1 =	srdreg.scid  }
0x8b: {  	s0 =	sand.u32 $0x1, s1  }
0x8c: {  	s17 =	sshll.u32 s0, $0xA;
	s2 =	sadd.s32 s3, s2  }
0x8d: {  	s2 =	sadd.s32 s2, s17  }
0x8e: {  	[smem:$0x3FC0] =	sst s2  }
0x8f: {  	_ = 	snop  }
0x90: {  	s2 =	sld [smem:$0x3FD0];
	(tm) =	ssettm $0x1  }
0x91: {  	s18 =	sld [smem:$0x3FFB];
	_ =	sdelay $0x3  }
0x92: {  	_ =	strace s18  }
0x93: {  	s3 =	sld [smem:$0x3FFC];
	_ =	sdelay $0x3  }
0x94: {  	_ =	strace s3  }
0x95: {  	s3 =	sld [smem:$0x3FFD];
	_ =	sdelay $0x3  }
0x96: {  	_ =	strace s3  }
0x97: {  	_ =	strace $0x8FFFFFFF  }
0x98: {  	s19 =	sld [smem:$0x3FDB];
	_ =	sdelay $0x1  }
0x99: {  	s4 =	simm.s32 $_scs_section_size  }
0x9a: {  	s5 =	simm.s32 $_size__tile_overlayer_lowered;
	s6 =	simm.s32 $_tile_overlayer_lowered  }
0x9b: {  	s22 =	simm.s32 $0x1BFF;
	s21 =	sshll.u32 s6, $0x1;
	s3 =	sadd.s32 s4, s19  }
0x9c: {  	s7 =	simm.s32 $0x0;
	s20 =	sshll.u32 s5, $0x1;
	s5 =	sadd.s32 s21, s3  }
0x9d: {  	[timem:s7], [sflag:s22] =	dma.local [hbm:s5], s20  }
0x9e: {  	_ =	swait.ge [sflag:s22], s20  }
0x9f: {  	s4 =	ssub.s32 $0x0, s20;
	[sflag:s22] =	ssyncset.done $0x0  }
0xa0: {  	[sflag:s22] =	ssyncadd.s32 s4;
	_ =	sdelay $0x1  }
0xa1: {  	s23 =	simm.s32 $0x1B8B  }
0xa2: {  	_ =	swait.ge [sflag:s23], $0x1  }
0xa3: {  	[sflag:s23] =	ssyncset.done $0x0  }
0xa4: {  	s25 =	simm.s32 $0x1B8E;
	s24 =	sld [smem:$0x3FFE];
	[sflag:s23] =	ssyncadd.s32 $0xFFFFFFFF  }
0xa5: {  	s26 =	simm.s32 $execute0_lowered;
	[smem:$0x3FD2] =	sst s25  }
0xa6: {  	s5 =	sshll.u32 s26, $0x1;
	_ =	strace $0x80000046;
	[dreg:$0x1] =	wrdreg $0xFFFFFFFF  }
0xa7: {  	s28 =	simm.s32 $_size_execute0_lowered;
	s3 =	sadd.s32 s3, s5;
	[dreg:$0x0] =	wrdreg $0x0  }
0xa8: {  	s5 =	sshll.u32 s28, $0x1;
	[dreg:$0x2] =	wrdreg s3  }
0xa9: {  	[dreg:$0x3] =	wrdreg s5  }
0xaa: {  	[dreg:$0x4] =	wrdreg $0xC0  }
0xab: {  	_ =	task [dreg:s7], $0x5FFFF  }
0xac: {  	[dreg:$0x1] =	wrdreg $0xFFFFFFFF  }
0xad: {  	[dreg:$0x0] =	wrdreg $0x60  }
0xae: {  	[dreg:$0x2] =	wrdreg s24  }
0xaf: {  	[dreg:$0x3] =	wrdreg s2  }
0xb0: {  	[dreg:$0x4] =	wrdreg $0x0  }
0xb1: {  	[dreg:$0x5] =	wrdreg $0xC400  }
0xb2: {  	[dreg:$0x6] =	wrdreg $0x9  }
0xb3: {  	_ =	task.clear_ibuf [dreg:s7], $0x7FFFF;
	_ =	strace $0x90000046  }
0xb4: {  	s29 =	simm.s32 $0x9;
	_ =	strace $0x80000048  }
0xb5: {  	_ =	swait.ge [sflag:s29], $0x1  }
0xb6: {  	[sflag:s29] =	ssyncadd.s32 $0xFFFFFFFF  }
0xb7: {  	_ =	strace $0x90000048  }
0xb8: {  	_ =	sfence  }
0xb9: {  	s30 =	sld [smem:$0x0];
	_ =	sdelay $0x2  }
0xba: {  	s31 =	sshll.u32 s1, $0xD;
	s1 =	sshrl.u32 s1, $0x2  }
0xbb: {  	s3 =	sand.u32 $0x4000, s31;
	s1 =	sadd.s32 s1, s30  }
0xbc: {  	s0 =	sor.u32 s3, s0;
	s1 =	sshll.u32 s1, $0x11  }
0xbd: {  	s0 =	sor.u32 s1, s0  }
0xbe: {  	s0 =	sadd.s32 $0x8F2B, s0  }
0xbf: {  	[sflag:s0] =	ssyncadd.remote.s32 $0x1  }
0xc0: {  	_ =	sfence.sel $0xFFFF  }
0xc1: {  	[dreg:$0x0] =	wrdreg $0xFFFFFFFF;
	(pc) =	sbr.abs _section_cstart, $3  }
0xc2: {  	[dreg:$0x1] =	wrdreg $0xFFFFFFFF  }
0xc3: {  	_ =	task.clear_ibuf [dreg:s7], $0x2FFFF;
	_ =	strace $0x9FFFFFFF  }
0xc4: {  	(tm) =	ssettm $0x7FFFFFFF  }
0xc5: {  	_ =	shalt  }
tec
execute0_lowered:
.L_overlay_start_1:
0x0: {  	(tag) =	ssettag $0x1  }
0x1: {  	s19 =	rddreg [dreg:$0x0]  }
0x2: {  	s1 =	rddreg [dreg:$0x1]  }
0x3: {  	s2 =	rddreg [dreg:$0x2]  }
0x4: {  	s4 =	rddreg [dreg:$0x3]  }
0x5: {  	s0 =	rddreg [dreg:$0x4];
	s5 =	simm.s32 $0x0  }
0x6: {  	s3 =	stileid.u32;
	[smem:$0x7FF] =	sst s5  }
0x7: {  	s7 =	simm.s32 $0x13E80;
	s6 =	simm.s32 $0x2;
	_ =	strace $0x80000047  }
0x8: {  	[tilespmem:s7], [sflag:$0x2] =	stream.linear.gather [hbm4b:s1+s5], $0xC40, $0x38;
	[tilespmem:$0x14AC0] =	vst v63  }
0x9: {  	s21 =	smul.u32 $0xC40, s3;
	_ =	swait.ge [sflag:s6], $0xC40  }
0xa: {  	s8 =	srdreg.scid;
	[sflag:s6] =	ssyncset.done $0x0  }
0xb: {  	s20 =	sand.u32 $0x1, s8;
	s8 =	sadd.s32 s21, s2;
	[sflag:s6] =	ssyncadd.s32 $0xFFFFF3C0  }
0xc: {  	[spmem:s8] =	stream.linear.scatter [tilespmem:s7], [sflag:$0x2], $0xC40, $0x38;
	[tilespmem:$0x14AC0] =	vst v63  }
0xd: {  	s9 =	sshll.u32 s20, $0x4;
	_ =	swait.ge [sflag:s6], $0xC40  }
0xe: {  	s9 =	sor.u32 s3, s9;
	[sflag:s6] =	ssyncset.done $0x0  }
0xf: {  	s10 =	smul.u32 $0xC40, s9;
	s9 =	sadd.s32 s21, s4;
	[sflag:s6] =	ssyncadd.s32 $0xFFFFF3C0  }
0x10: {  	[spmem:s9] =	stream.linear.scatter [tilespmem:s7], [sflag:$0x2], $0xC40, $0x38;
	[tilespmem:$0x14AC0] =	vst v63  }
0x11: {  	_ =	swait.ge [sflag:s6], $0xC40  }
0x12: {  	s12 =	sadd.s32 s10, s19;
	[sflag:s6] =	ssyncset.done $0x0  }
0x13: {  	s11 =	simm.s32 $0x1880;
	s10 =	sadd.s32 $0x1C600, s12;
	[sflag:s6] =	ssyncadd.s32 $0xFFFFF3C0  }
0x14: {  	[tilespmem:s11], [sflag:$0x2] =	stream.linear.gather [hbm4b:s10+s5], $0x6200, $0x38;
	[tilespmem:$0x14AC0] =	vst v63  }
0x15: {  	_ =	swait.ge [sflag:s6], $0x6200  }
0x16: {  	[sflag:s6] =	ssyncset.done $0x0  }
0x17: {  	s13 =	simm.s32 $0x7A80;
	s12 =	sadd.s32 $0x3E00, s12;
	[sflag:s6] =	ssyncadd.s32 $0xFFFF9E00  }
0x18: {  	[tilespmem:s13], [sflag:$0x2] =	stream.linear.gather [hbm4b:s12+s5], $0x6200, $0x38;
	[tilespmem:$0x14AC0] =	vst v63  }
0x19: {  	_ =	swait.ge [sflag:s6], $0x6200  }
0x1a: {  	[sflag:s6] =	ssyncset.done $0x0  }
0x1b: {  	s15 =	simm.s32 $0x6200;
	s16 =	simm.s32 $0xDC80;
	[sflag:s6] =	ssyncadd.s32 $0xFFFF9E00  }
0x1c: {  	s17 =	simm.s32 $0x1;
	s14 =	sadd.s32 $0x2400, s19;
	[bflag:$0x0] =	sbarrier.arrive $0xFFFF  }
0x1d: {  	[tilespmem:s16], [sflag:$0x1] =	stream.indirect.gather [hbm4b:s14+s15], $0x1, s11, s15, $0xb8;
	[tilespmem:$0x14AC0] =	vst v63  }
0x1e: {  	_ =	swait.ge [sflag:s17], $0x6200  }
0x1f: {  	[sflag:s17] =	ssyncset.done $0x0  }
0x20: {  	[sflag:s17] =	ssyncadd.s32 $0xFFFF9E00  }
0x21: {  	[spmem:s2] =	stream.indirect.scatter.add.f32 [tilespmem:s16], [sflag:$0x2], $0x1, s13, s15, $0xb8;
	[tilespmem:$0x14AC0] =	vst v63  }
0x22: {  	_ =	swait.ge [sflag:s6], $0x6200  }
0x23: {  	[sflag:s6] =	ssyncset.done $0x0  }
0x24: {  	s18 =	sadd.s32 $0xA00, s19;
	[sflag:s6] =	ssyncadd.s32 $0xFFFF9E00  }
0x25: {  	[tilespmem:s16], [sflag:$0x1] =	stream.indirect.gather [hbm4b:s18+s15], $0x1, s11, s15, $0xb8;
	[tilespmem:$0x14AC0] =	vst v63  }
0x26: {  	_ =	swait.ge [sflag:s17], $0x6200  }
0x27: {  	[sflag:s17] =	ssyncset.done $0x0  }
0x28: {  	[sflag:s17] =	ssyncadd.s32 $0xFFFF9E00  }
0x29: {  	[spmem:s4] =	stream.indirect.scatter.add.f32 [tilespmem:s16], [sflag:$0x2], $0x1, s13, s15, $0xb8;
	[tilespmem:$0x14AC0] =	vst v63  }
0x2a: {  	_ =	swait.ge [sflag:s6], $0x6200  }
0x2b: {  	s22 =	smul.u32 $0xC400, s20;
	[sflag:s6] =	ssyncset.done $0x0  }
0x2c: {  	[sflag:s6] =	ssyncadd.s32 $0xFFFF9E00  }
0x2d: {  	s21 =	sadd.s32 s21, s22;
	[bflag:$0x0] =	sbarrier.arrive $0xFFFF  }
0x2e: {  	[tilespmem:s7], [sflag:$0x2] =	stream.linear.gather [spmem:s8], $0xC40, $0x38;
	[tilespmem:$0x14AC0] =	vst v63  }
0x2f: {  	s21 =	sshrl.u32 s21, $0x3;
	_ =	swait.ge [sflag:s6], $0xC40  }
0x30: {  	s21 =	sadd.s32 s21, s19;
	[sflag:s6] =	ssyncset.done $0x0  }
0x31: {  	s20 =	ssub.s32 $0x2, s20;
	s19 =	sadd.s32 $0x34E00, s21;
	[sflag:s6] =	ssyncadd.s32 $0xFFFFF3C0  }
0x32: {  	[hbm4b:s19+s5] =	stream.linear.scatter [tilespmem:s7], [sflag:$0x2], $0xC40, $0x38;
	[tilespmem:$0x14AC0] =	vst v63  }
0x33: {  	s30 =	sshrl.u32 s20, $0x1;
	_ =	swait.ge [sflag:s6], $0xC40  }
0x34: {  	s22 =	ssub.s32 s20, s30;
	[sflag:s6] =	ssyncset.done $0x0  }
0x35: {  	s31 =	smax.u32 s22, $0x1;
	[sflag:s6] =	ssyncadd.s32 $0xFFFFF3C0  }
0x36: {  	[tilespmem:s7], [sflag:$0x2] =	stream.linear.gather [spmem:s9], $0xC40, $0x38;
	[tilespmem:$0x14AC0] =	vst v63  }
0x37: {  	p0 =	sne.s32 s31, $0x1;
	_ =	swait.ge [sflag:s6], $0xC40  }
.Ltmp0:
0x38: {  	[sflag:s6] =	ssyncset.done $0x0;
	(pc) =	sbr.rel @!p0 .LBB2_2-.Ltmp0, $4  }
0x39: {  	s20 =	sadd.s32 $0x38000, s21;
	[sflag:s6] =	ssyncadd.s32 $0xFFFFF3C0  }
0x3a: {  	[hbm4b:s20+s5] =	stream.linear.scatter [tilespmem:s7], [sflag:$0x2], $0xC40, $0x38;
	[tilespmem:$0x14AC0] =	vst v63  }
0x3b: {  	_ =	swait.ge [sflag:s6], $0xC40  }
0x3c: {  	s21 =	sadd.s32 $0xFFFFFFFF, s31;
	[sflag:s6] =	ssyncset.done $0x0  }
.LBB2_1:
0x3d: {  	p0 =	sne.s32 s21, $0x1;
	s21 =	sadd.s32 $0xFFFFFFFF, s21;
	[sflag:s6] =	ssyncadd.s32 $0xFFFFF3C0  }
0x3e: {  	[tilespmem:s7], [sflag:$0x2] =	stream.linear.gather [hbm4b:s1+s5], $0xC40, $0x38;
	[tilespmem:$0x14AC0] =	vst v63  }
0x3f: {  	_ =	swait.ge [sflag:s6], $0xC40  }
0x40: {  	[sflag:s6] =	ssyncset.done $0x0  }
0x41: {  	[sflag:s6] =	ssyncadd.s32 $0xFFFFF3C0  }
0x42: {  	[spmem:s8] =	stream.linear.scatter [tilespmem:s7], [sflag:$0x2], $0xC40, $0x38;
	[tilespmem:$0x14AC0] =	vst v63  }
0x43: {  	_ =	swait.ge [sflag:s6], $0xC40  }
0x44: {  	[sflag:s6] =	ssyncset.done $0x0  }
0x45: {  	[sflag:s6] =	ssyncadd.s32 $0xFFFFF3C0  }
0x46: {  	[spmem:s9] =	stream.linear.scatter [tilespmem:s7], [sflag:$0x2], $0xC40, $0x38;
	[tilespmem:$0x14AC0] =	vst v63  }
0x47: {  	_ =	swait.ge [sflag:s6], $0xC40  }
0x48: {  	[sflag:s6] =	ssyncset.done $0x0  }
0x49: {  	[sflag:s6] =	ssyncadd.s32 $0xFFFFF3C0  }
0x4a: {  	[tilespmem:s11], [sflag:$0x2] =	stream.linear.gather [hbm4b:s10+s5], $0x6200, $0x38;
	[tilespmem:$0x14AC0] =	vst v63  }
0x4b: {  	_ =	swait.ge [sflag:s6], $0x6200  }
0x4c: {  	[sflag:s6] =	ssyncset.done $0x0  }
0x4d: {  	[sflag:s6] =	ssyncadd.s32 $0xFFFF9E00  }
0x4e: {  	[tilespmem:s13], [sflag:$0x2] =	stream.linear.gather [hbm4b:s12+s5], $0x6200, $0x38;
	[tilespmem:$0x14AC0] =	vst v63  }
0x4f: {  	_ =	swait.ge [sflag:s6], $0x6200  }
0x50: {  	[sflag:s6] =	ssyncset.done $0x0  }
0x51: {  	[sflag:s6] =	ssyncadd.s32 $0xFFFF9E00  }
0x52: {  	[bflag:$0x0] =	sbarrier.arrive $0xFFFF  }
0x53: {  	[tilespmem:s16], [sflag:$0x1] =	stream.indirect.gather [hbm4b:s14+s15], $0x1, s11, s15, $0xb8;
	[tilespmem:$0x14AC0] =	vst v63  }
0x54: {  	_ =	swait.ge [sflag:s17], $0x6200  }
0x55: {  	[sflag:s17] =	ssyncset.done $0x0  }
0x56: {  	[sflag:s17] =	ssyncadd.s32 $0xFFFF9E00  }
0x57: {  	[spmem:s2] =	stream.indirect.scatter.add.f32 [tilespmem:s16], [sflag:$0x2], $0x1, s13, s15, $0xb8;
	[tilespmem:$0x14AC0] =	vst v63  }
0x58: {  	_ =	swait.ge [sflag:s6], $0x6200  }
0x59: {  	[sflag:s6] =	ssyncset.done $0x0  }
0x5a: {  	[sflag:s6] =	ssyncadd.s32 $0xFFFF9E00  }
0x5b: {  	[tilespmem:s16], [sflag:$0x1] =	stream.indirect.gather [hbm4b:s18+s15], $0x1, s11, s15, $0xb8;
	[tilespmem:$0x14AC0] =	vst v63  }
0x5c: {  	_ =	swait.ge [sflag:s17], $0x6200  }
0x5d: {  	[sflag:s17] =	ssyncset.done $0x0  }
0x5e: {  	[sflag:s17] =	ssyncadd.s32 $0xFFFF9E00  }
0x5f: {  	[spmem:s4] =	stream.indirect.scatter.add.f32 [tilespmem:s16], [sflag:$0x2], $0x1, s13, s15, $0xb8;
	[tilespmem:$0x14AC0] =	vst v63  }
0x60: {  	_ =	swait.ge [sflag:s6], $0x6200  }
0x61: {  	[sflag:s6] =	ssyncset.done $0x0  }
0x62: {  	[sflag:s6] =	ssyncadd.s32 $0xFFFF9E00  }
0x63: {  	[bflag:$0x0] =	sbarrier.arrive $0xFFFF  }
0x64: {  	[tilespmem:s7], [sflag:$0x2] =	stream.linear.gather [spmem:s8], $0xC40, $0x38;
	[tilespmem:$0x14AC0] =	vst v63  }
0x65: {  	_ =	swait.ge [sflag:s6], $0xC40  }
0x66: {  	[sflag:s6] =	ssyncset.done $0x0  }
0x67: {  	[sflag:s6] =	ssyncadd.s32 $0xFFFFF3C0  }
0x68: {  	[hbm4b:s19+s5] =	stream.linear.scatter [tilespmem:s7], [sflag:$0x2], $0xC40, $0x38;
	[tilespmem:$0x14AC0] =	vst v63  }
0x69: {  	_ =	swait.ge [sflag:s6], $0xC40  }
0x6a: {  	[sflag:s6] =	ssyncset.done $0x0  }
0x6b: {  	[sflag:s6] =	ssyncadd.s32 $0xFFFFF3C0  }
0x6c: {  	[tilespmem:s7], [sflag:$0x2] =	stream.linear.gather [spmem:s9], $0xC40, $0x38;
	[tilespmem:$0x14AC0] =	vst v63  }
0x6d: {  	_ =	swait.ge [sflag:s6], $0xC40  }
.Ltmp1:
0x6e: {  	[sflag:s6] =	ssyncset.done $0x0;
	(pc) =	sbr.rel @p0 .LBB2_1-.Ltmp1, $4  }
0x6f: {  	[sflag:s6] =	ssyncadd.s32 $0xFFFFF3C0  }
0x70: {  	[hbm4b:s20+s5] =	stream.linear.scatter [tilespmem:s7], [sflag:$0x2], $0xC40, $0x38;
	[tilespmem:$0x14AC0] =	vst v63  }
0x71: {  	_ =	swait.ge [sflag:s6], $0xC40  }
0x72: {  	[sflag:s6] =	ssyncset.done $0x0  }
.LBB2_2:
0x73: {  	[sflag:s6] =	ssyncadd.s32 $0xFFFFF3C0  }
0x74: {  	_ =	sfence.sel $0x180000  }
0x75: {  	[bflag:$0x0] =	sbarrier.arrive $0xFFFF  }
0x76: {  	p0 =	sne.s32 s3, $0x0;
	_ =	strace $0x90000047  }
0x77: {  	s0 =	sadd.s32 @!p0 $0x100000, s0;
	[bflag:$0x2] =	sbarrier.arrive $0xFFFF  }
0x78: {  	[sflag:s0] =	ssyncadd.tile.s32 @!p0 $0x1;
	_ =	shalt  }
.Lfunc_end2:
_tile_overlayer_lowered:
.L_overlay_start_2:
0x79: {  	(tag) =	ssettag $0x2  }
0x7a: {  	s0 =	rddreg [dreg:$0x0];
	s2 =	stileid.u32  }
0x7b: {  	s1 =	rddreg [dreg:$0x1];
	p0 =	sne.s32 s2, $0x0  }
0x7c: {  	s3 =	rddreg [dreg:$0x2];
	[bflag:$0x3] =	sbarrier.arrive $0xFFFF;
	s2 =	simm.s32 @!p0 $0x1C02  }
0x7d: {  	[timem:s3], [sflag:s2] =	dma.local @!p0 [hbm:s0], s1  }
0x7e: {  	s0 =	simm.s32 @!p0 $0x2  }
0x7f: {  	_ =	swait.ge @!p0 [sflag:s0], s1  }
0x80: {  	s1 =	ssub.s32 @!p0 $0x0, s1;
	[sflag:s0] =	ssyncset.done @!p0 $0x0  }
0x81: {  	[sflag:s0] =	ssyncadd.s32 @!p0 s1  }
0x82: {  	[bflag:$0x3] =	sbarrier.arrive $0xFFFF  }
0x83: {  	_ =	shalt  }

</sc_bundles>
